<compile_context>
chip_gen: v7x
topology: tpu7x:2x2x1
jax: 0.10.2.dev20260603
libtpu: 0.0.44.dev20260713+nightly
codegen_flags: <defaults>
</compile_context>

<pallas_src>
import functools

import jax
import jax.numpy as jnp
from jax import lax
from jax.experimental import pallas as pl
from jax.experimental.pallas import tpu as pltpu
from jax.experimental.pallas import tpu_sc as plsc

N_BINS = 10
_NW = 32
_HSLOTS = 3 * 16 * N_BINS

_ROWS_PER_BLOCK = 8192

_MAG = 2147483647
_LOW6 = 63
_HIGH26 = -64


def _dense_quarter(x, out_ref):
    r, c = x.shape
    ui = lax.bitcast_convert_type(x, jnp.int32)
    iota = lax.broadcasted_iota(jnp.int32, (r, c), 1)
    wbits = lax.bitwise_or(lax.bitwise_and(ui, _HIGH26),
                           jnp.int32(c - 1) - iota)
    w = lax.bitcast_convert_type(wbits, jnp.float32)
    wm = jnp.max(w, axis=1, keepdims=True)
    mb = lax.bitcast_convert_type(wm, jnp.int32)
    pred = jnp.int32(c - 1) - lax.bitwise_and(mb, _LOW6)
    m = lax.bitcast_convert_type(lax.bitwise_and(mb, _HIGH26), jnp.float32)
    s = jnp.sum(jnp.exp(x - m), axis=1, keepdims=True)
    conf = 1.0 / s
    cb = lax.bitcast_convert_type(conf, jnp.int32)
    pk = lax.bitwise_or(lax.bitwise_and(cb + 32, _HIGH26), pred)
    out_ref[...] = pk.reshape(1, r // 128, 128)


def _dense_stage_body(l0, l1, l2, l3, o0, o1, o2, o3):
    _dense_quarter(l0[...], o0)
    _dense_quarter(l1[...], o1)
    _dense_quarter(l2[...], o2)
    _dense_quarter(l3[...], o3)


def _dense_stage(logits):
    n, c = logits.shape
    r = _ROWS_PER_BLOCK
    rq = r // 4
    grid = n // r
    out_t = jax.ShapeDtypeStruct((grid, rq // 128, 128), jnp.int32)
    outs = pl.pallas_call(
        _dense_stage_body,
        grid=(grid,),
        in_specs=[
            pl.BlockSpec((rq, c), lambda i, j=j: (4 * i + j, 0))
            for j in range(4)
        ],
        out_specs=[
            pl.BlockSpec((1, rq // 128, 128), lambda i: (i, 0, 0))
            for _ in range(4)
        ],
        out_shape=[out_t, out_t, out_t, out_t],
        compiler_params=pltpu.CompilerParams(
            dimension_semantics=("arbitrary",)),
    )(logits, logits, logits, logits)
    return jnp.concatenate([o[:, None] for o in outs], axis=1)


def _sc_hist(pk, targets):
    n = pk.shape[0]
    ch = n // _NW
    mesh = plsc.VectorSubcoreMesh(core_axis_name="c", subcore_axis_name="s")

    @functools.partial(
        pl.kernel,
        mesh=mesh,
        out_type=jax.ShapeDtypeStruct((_NW, _HSLOTS), jnp.float32),
        scratch_types=[
            pltpu.VMEM((ch,), jnp.int32),
            pltpu.VMEM((ch,), jnp.int32),
            pltpu.VMEM((_HSLOTS,), jnp.float32),
        ],
        compiler_params=pltpu.CompilerParams(needs_layout_passes=False),
    )
    def k(pk_h, tgt_h, out_h, pk_v, tgt_v, hist_v):
        wid = lax.axis_index("s") * 2 + lax.axis_index("c")
        base = wid * ch
        for i in range(3 * N_BINS):
            hist_v[pl.ds(i * 16, 16)] = jnp.zeros((16,), jnp.float32)
        pltpu.sync_copy(pk_h.at[pl.ds(base, ch)], pk_v)
        pltpu.sync_copy(tgt_h.at[pl.ds(base, ch)], tgt_v)
        lane = lax.broadcasted_iota(jnp.int32, (16,), 0)
        ones = jnp.full((16,), 1.0, jnp.float32)

        @plsc.parallel_loop(0, ch, 16, unroll=16)
        def body(o):
            w = pk_v[pl.ds(o, 16)]
            tg = tgt_v[pl.ds(o, 16)]
            cf = lax.bitcast_convert_type(lax.bitwise_and(w, _HIGH26),
                                          jnp.float32)
            pr = lax.bitwise_and(w, _LOW6)
            accf = jnp.where(pr == tg, 1.0, 0.0).astype(jnp.float32)
            t10 = cf * 10.0
            ti = t10.astype(jnp.int32)
            exact = ti.astype(jnp.float32) == t10
            idx = jnp.where(exact, ti - 1, ti)
            idx = jnp.clip(idx, 0, N_BINS - 1)
            addr = idx * 16 + lane
            plsc.addupdate_scatter(hist_v, [addr], ones)
            plsc.addupdate_scatter(hist_v, [addr + 160], cf)
            plsc.addupdate_scatter(hist_v, [addr + 320], accf)

        pltpu.sync_copy(hist_v, out_h.at[wid])

    return k(pk, targets)


def _combine_body(p_ref, out_ref):
    h = p_ref[...]
    inv_n = 1.0 / 1048576.0
    ece = jnp.float32(0.0)
    for b in range(N_BINS):
        cnt = jnp.sum(h[:, b * 16:(b + 1) * 16])
        sc = jnp.sum(h[:, 160 + b * 16:160 + (b + 1) * 16])
        sa = jnp.sum(h[:, 320 + b * 16:320 + (b + 1) * 16])
        safe = jnp.maximum(cnt, 1.0)
        ece = ece + jnp.where(cnt > 0.0,
                              jnp.abs(sc / safe - sa / safe) * (cnt * inv_n),
                              0.0)
    out_ref[...] = jnp.reshape(ece, (1, 1))


def kernel(logits, targets):
    n, _ = logits.shape
    pk = _dense_stage(logits).reshape(n)
    partials = _sc_hist(pk, targets)
    ece = pl.pallas_call(
        _combine_body,
        out_shape=jax.ShapeDtypeStruct((1, 1), jnp.float32),
    )(partials)
    return ece[0, 0]

# --- scband reference (transcript-rebuilt; emitter-appended) ---
"""Pipeline reference for scband-calibration-loss-58248346468830 (READ-ONLY COPY).

The authoritative reference and input builder live on the scoring server;
editing this copy changes nothing except your own understanding.
"""

import jax, jax.numpy as jnp
import numpy as np

N = 1048576
C = 64
N_BINS = 10


def setup_inputs(seed: int = 0) -> dict:
    key = jax.random.key(seed)
    k1, k2 = jax.random.split(key)
    logits = jax.random.normal(k1, (N, C), dtype=jnp.float32)
    targets = jax.random.randint(k2, (N,), 0, C, dtype=jnp.int32)
    return {"logits": logits, "targets": targets}


def reference(logits, targets):
    probs = jax.nn.softmax(logits, axis=1)
    confidences = jnp.max(probs, axis=1)
    predictions = jnp.argmax(probs, axis=1)
    accuracies = (predictions == targets).astype(jnp.float32)
    bin_boundaries = jnp.linspace(0.0, 1.0, N_BINS + 1, dtype=jnp.float32)
    calibration_error = jnp.asarray(0.0, dtype=jnp.float32)
    for i in range(N_BINS):
        bin_lower = bin_boundaries[i]
        bin_upper = bin_boundaries[i + 1]
        in_bin = (confidences > bin_lower) & (confidences <= bin_upper)
        in_bin_f = in_bin.astype(jnp.float32)
        prop_in_bin = jnp.mean(in_bin_f)
        cnt = jnp.sum(in_bin_f)
        safe_cnt = jnp.maximum(cnt, 1.0)
        accuracy_in_bin = jnp.sum(accuracies * in_bin_f) / safe_cnt
        avg_confidence_in_bin = jnp.sum(confidences * in_bin_f) / safe_cnt
        contrib = jnp.abs(avg_confidence_in_bin - accuracy_in_bin) * prop_in_bin
        calibration_error = calibration_error + jnp.where(cnt > 0.0, contrib, 0.0)
    return calibration_error

if __name__ == "__main__":
    import jax
    _d = setup_inputs()
    print(jax.jit(kernel)(*tuple(_d.values())))

</pallas_src>

<mosaic_0001>
#map = affine_map<(d0, d1) -> (0)>
#map1 = affine_map<(d0, d1) -> (0, 0)>
module attributes {stable_mosaic.version = 14 : i64} {
  func.func @k(%arg0: i32, %arg1: i32, %arg2: memref<1048576xi32, #tpu.memory_space<hbm>>, %arg3: memref<1048576xi32, #tpu.memory_space<hbm>>, %arg4: memref<32x480xf32, #tpu.memory_space<hbm>>, %arg5: memref<32768xi32, #tpu.memory_space<vmem>>, %arg6: memref<32768xi32, #tpu.memory_space<vmem>>, %arg7: memref<480xf32, #tpu.memory_space<vmem>>) attributes {dimension_semantics = [#tpu.dimension_semantics<core_parallel>, #tpu.dimension_semantics<subcore_parallel>], iteration_bounds = array<i64: 2, 16>, scalar_prefetch = 0 : i64, scratch_operands = 3 : i64, tpu.core_type = #tpu.core_type<sc_vector_subcore>, window_params = [{transform_indices = #map}, {transform_indices = #map}, {transform_indices = #map1}]} {
    %mul3A = arith.constant 2 : i32
    %mul3A_0 = arith.muli %arg1, %mul3A : i32
    %add3A = arith.addi %mul3A_0, %arg0 : i32
    %mul3A_1 = arith.constant 32768 : i32
    %mul3A_2 = arith.muli %add3A, %mul3A_1 : i32
    %broadcast_in_dim3A = arith.constant 0.000000e+00 : f32
    %broadcast_in_dim3A_3 = vector.broadcast %broadcast_in_dim3A : f32 to vector<16xf32>
    %swap3A = arith.constant 0 : index
    %swap3A_4 = tpu.vector_load %arg7[%swap3A] {strides = array<i32>} : memref<480xf32, #tpu.memory_space<vmem>>, vector<16xf32>,
    tpu.vector_store %arg7[%swap3A], %broadcast_in_dim3A_3 {strides = array<i32>} : memref<480xf32, #tpu.memory_space<vmem>>, vector<16xf32>,
    %broadcast_in_dim3A_5 = arith.constant 0.000000e+00 : f32
    %broadcast_in_dim3A_6 = vector.broadcast %broadcast_in_dim3A_5 : f32 to vector<16xf32>
    %swap3A_7 = arith.constant 16 : index
    %swap3A_8 = tpu.vector_load %arg7[%swap3A_7] {strides = array<i32>} : memref<480xf32, #tpu.memory_space<vmem>>, vector<16xf32>,
    tpu.vector_store %arg7[%swap3A_7], %broadcast_in_dim3A_6 {strides = array<i32>} : memref<480xf32, #tpu.memory_space<vmem>>, vector<16xf32>,
    %broadcast_in_dim3A_9 = arith.constant 0.000000e+00 : f32
    %broadcast_in_dim3A_10 = vector.broadcast %broadcast_in_dim3A_9 : f32 to vector<16xf32>
    %swap3A_11 = arith.constant 32 : index
    %swap3A_12 = tpu.vector_load %arg7[%swap3A_11] {strides = array<i32>} : memref<480xf32, #tpu.memory_space<vmem>>, vector<16xf32>,
    tpu.vector_store %arg7[%swap3A_11], %broadcast_in_dim3A_10 {strides = array<i32>} : memref<480xf32, #tpu.memory_space<vmem>>, vector<16xf32>,
    %broadcast_in_dim3A_13 = arith.constant 0.000000e+00 : f32
    %broadcast_in_dim3A_14 = vector.broadcast %broadcast_in_dim3A_13 : f32 to vector<16xf32>
    %swap3A_15 = arith.constant 48 : index
    %swap3A_16 = tpu.vector_load %arg7[%swap3A_15] {strides = array<i32>} : memref<480xf32, #tpu.memory_space<vmem>>, vector<16xf32>,
    tpu.vector_store %arg7[%swap3A_15], %broadcast_in_dim3A_14 {strides = array<i32>} : memref<480xf32, #tpu.memory_space<vmem>>, vector<16xf32>,
    %broadcast_in_dim3A_17 = arith.constant 0.000000e+00 : f32
    %broadcast_in_dim3A_18 = vector.broadcast %broadcast_in_dim3A_17 : f32 to vector<16xf32>
    %swap3A_19 = arith.constant 64 : index
    %swap3A_20 = tpu.vector_load %arg7[%swap3A_19] {strides = array<i32>} : memref<480xf32, #tpu.memory_space<vmem>>, vector<16xf32>,
    tpu.vector_store %arg7[%swap3A_19], %broadcast_in_dim3A_18 {strides = array<i32>} : memref<480xf32, #tpu.memory_space<vmem>>, vector<16xf32>,
    %broadcast_in_dim3A_21 = arith.constant 0.000000e+00 : f32
    %broadcast_in_dim3A_22 = vector.broadcast %broadcast_in_dim3A_21 : f32 to vector<16xf32>
    %swap3A_23 = arith.constant 80 : index
    %swap3A_24 = tpu.vector_load %arg7[%swap3A_23] {strides = array<i32>} : memref<480xf32, #tpu.memory_space<vmem>>, vector<16xf32>,
    tpu.vector_store %arg7[%swap3A_23], %broadcast_in_dim3A_22 {strides = array<i32>} : memref<480xf32, #tpu.memory_space<vmem>>, vector<16xf32>,
    %broadcast_in_dim3A_25 = arith.constant 0.000000e+00 : f32
    %broadcast_in_dim3A_26 = vector.broadcast %broadcast_in_dim3A_25 : f32 to vector<16xf32>
    %swap3A_27 = arith.constant 96 : index
    %swap3A_28 = tpu.vector_load %arg7[%swap3A_27] {strides = array<i32>} : memref<480xf32, #tpu.memory_space<vmem>>, vector<16xf32>,
    tpu.vector_store %arg7[%swap3A_27], %broadcast_in_dim3A_26 {strides = array<i32>} : memref<480xf32, #tpu.memory_space<vmem>>, vector<16xf32>,
    %broadcast_in_dim3A_29 = arith.constant 0.000000e+00 : f32
    %broadcast_in_dim3A_30 = vector.broadcast %broadcast_in_dim3A_29 : f32 to vector<16xf32>
    %swap3A_31 = arith.constant 112 : index
    %swap3A_32 = tpu.vector_load %arg7[%swap3A_31] {strides = array<i32>} : memref<480xf32, #tpu.memory_space<vmem>>, vector<16xf32>,
    tpu.vector_store %arg7[%swap3A_31], %broadcast_in_dim3A_30 {strides = array<i32>} : memref<480xf32, #tpu.memory_space<vmem>>, vector<16xf32>,
    %broadcast_in_dim3A_33 = arith.constant 0.000000e+00 : f32
    %broadcast_in_dim3A_34 = vector.broadcast %broadcast_in_dim3A_33 : f32 to vector<16xf32>
    %swap3A_35 = arith.constant 128 : index
    %swap3A_36 = tpu.vector_load %arg7[%swap3A_35] {strides = array<i32>} : memref<480xf32, #tpu.memory_space<vmem>>, vector<16xf32>,
    tpu.vector_store %arg7[%swap3A_35], %broadcast_in_dim3A_34 {strides = array<i32>} : memref<480xf32, #tpu.memory_space<vmem>>, vector<16xf32>,
    %broadcast_in_dim3A_37 = arith.constant 0.000000e+00 : f32
    %broadcast_in_dim3A_38 = vector.broadcast %broadcast_in_dim3A_37 : f32 to vector<16xf32>
    %swap3A_39 = arith.constant 144 : index
    %swap3A_40 = tpu.vector_load %arg7[%swap3A_39] {strides = array<i32>} : memref<480xf32, #tpu.memory_space<vmem>>, vector<16xf32>,
    tpu.vector_store %arg7[%swap3A_39], %broadcast_in_dim3A_38 {strides = array<i32>} : memref<480xf32, #tpu.memory_space<vmem>>, vector<16xf32>,
    %broadcast_in_dim3A_41 = arith.constant 0.000000e+00 : f32
    %broadcast_in_dim3A_42 = vector.broadcast %broadcast_in_dim3A_41 : f32 to vector<16xf32>
    %swap3A_43 = arith.constant 160 : index
    %swap3A_44 = tpu.vector_load %arg7[%swap3A_43] {strides = array<i32>} : memref<480xf32, #tpu.memory_space<vmem>>, vector<16xf32>,
    tpu.vector_store %arg7[%swap3A_43], %broadcast_in_dim3A_42 {strides = array<i32>} : memref<480xf32, #tpu.memory_space<vmem>>, vector<16xf32>,
    %broadcast_in_dim3A_45 = arith.constant 0.000000e+00 : f32
    %broadcast_in_dim3A_46 = vector.broadcast %broadcast_in_dim3A_45 : f32 to vector<16xf32>
    %swap3A_47 = arith.constant 176 : index
    %swap3A_48 = tpu.vector_load %arg7[%swap3A_47] {strides = array<i32>} : memref<480xf32, #tpu.memory_space<vmem>>, vector<16xf32>,
    tpu.vector_store %arg7[%swap3A_47], %broadcast_in_dim3A_46 {strides = array<i32>} : memref<480xf32, #tpu.memory_space<vmem>>, vector<16xf32>,
    %broadcast_in_dim3A_49 = arith.constant 0.000000e+00 : f32
    %broadcast_in_dim3A_50 = vector.broadcast %broadcast_in_dim3A_49 : f32 to vector<16xf32>
    %swap3A_51 = arith.constant 192 : index
    %swap3A_52 = tpu.vector_load %arg7[%swap3A_51] {strides = array<i32>} : memref<480xf32, #tpu.memory_space<vmem>>, vector<16xf32>,
    tpu.vector_store %arg7[%swap3A_51], %broadcast_in_dim3A_50 {strides = array<i32>} : memref<480xf32, #tpu.memory_space<vmem>>, vector<16xf32>,
    %broadcast_in_dim3A_53 = arith.constant 0.000000e+00 : f32
    %broadcast_in_dim3A_54 = vector.broadcast %broadcast_in_dim3A_53 : f32 to vector<16xf32>
    %swap3A_55 = arith.constant 208 : index
    %swap3A_56 = tpu.vector_load %arg7[%swap3A_55] {strides = array<i32>} : memref<480xf32, #tpu.memory_space<vmem>>, vector<16xf32>,
    tpu.vector_store %arg7[%swap3A_55], %broadcast_in_dim3A_54 {strides = array<i32>} : memref<480xf32, #tpu.memory_space<vmem>>, vector<16xf32>,
    %broadcast_in_dim3A_57 = arith.constant 0.000000e+00 : f32
    %broadcast_in_dim3A_58 = vector.broadcast %broadcast_in_dim3A_57 : f32 to vector<16xf32>
    %swap3A_59 = arith.constant 224 : index
    %swap3A_60 = tpu.vector_load %arg7[%swap3A_59] {strides = array<i32>} : memref<480xf32, #tpu.memory_space<vmem>>, vector<16xf32>,
    tpu.vector_store %arg7[%swap3A_59], %broadcast_in_dim3A_58 {strides = array<i32>} : memref<480xf32, #tpu.memory_space<vmem>>, vector<16xf32>,
    %broadcast_in_dim3A_61 = arith.constant 0.000000e+00 : f32
    %broadcast_in_dim3A_62 = vector.broadcast %broadcast_in_dim3A_61 : f32 to vector<16xf32>
    %swap3A_63 = arith.constant 240 : index
    %swap3A_64 = tpu.vector_load %arg7[%swap3A_63] {strides = array<i32>} : memref<480xf32, #tpu.memory_space<vmem>>, vector<16xf32>,
    tpu.vector_store %arg7[%swap3A_63], %broadcast_in_dim3A_62 {strides = array<i32>} : memref<480xf32, #tpu.memory_space<vmem>>, vector<16xf32>,
    %broadcast_in_dim3A_65 = arith.constant 0.000000e+00 : f32
    %broadcast_in_dim3A_66 = vector.broadcast %broadcast_in_dim3A_65 : f32 to vector<16xf32>
    %swap3A_67 = arith.constant 256 : index
    %swap3A_68 = tpu.vector_load %arg7[%swap3A_67] {strides = array<i32>} : memref<480xf32, #tpu.memory_space<vmem>>, vector<16xf32>,
    tpu.vector_store %arg7[%swap3A_67], %broadcast_in_dim3A_66 {strides = array<i32>} : memref<480xf32, #tpu.memory_space<vmem>>, vector<16xf32>,
    %broadcast_in_dim3A_69 = arith.constant 0.000000e+00 : f32
    %broadcast_in_dim3A_70 = vector.broadcast %broadcast_in_dim3A_69 : f32 to vector<16xf32>
    %swap3A_71 = arith.constant 272 : index
    %swap3A_72 = tpu.vector_load %arg7[%swap3A_71] {strides = array<i32>} : memref<480xf32, #tpu.memory_space<vmem>>, vector<16xf32>,
    tpu.vector_store %arg7[%swap3A_71], %broadcast_in_dim3A_70 {strides = array<i32>} : memref<480xf32, #tpu.memory_space<vmem>>, vector<16xf32>,
    %broadcast_in_dim3A_73 = arith.constant 0.000000e+00 : f32
    %broadcast_in_dim3A_74 = vector.broadcast %broadcast_in_dim3A_73 : f32 to vector<16xf32>
    %swap3A_75 = arith.constant 288 : index
    %swap3A_76 = tpu.vector_load %arg7[%swap3A_75] {strides = array<i32>} : memref<480xf32, #tpu.memory_space<vmem>>, vector<16xf32>,
    tpu.vector_store %arg7[%swap3A_75], %broadcast_in_dim3A_74 {strides = array<i32>} : memref<480xf32, #tpu.memory_space<vmem>>, vector<16xf32>,
    %broadcast_in_dim3A_77 = arith.constant 0.000000e+00 : f32
    %broadcast_in_dim3A_78 = vector.broadcast %broadcast_in_dim3A_77 : f32 to vector<16xf32>
    %swap3A_79 = arith.constant 304 : index
    %swap3A_80 = tpu.vector_load %arg7[%swap3A_79] {strides = array<i32>} : memref<480xf32, #tpu.memory_space<vmem>>, vector<16xf32>,
    tpu.vector_store %arg7[%swap3A_79], %broadcast_in_dim3A_78 {strides = array<i32>} : memref<480xf32, #tpu.memory_space<vmem>>, vector<16xf32>,
    %broadcast_in_dim3A_81 = arith.constant 0.000000e+00 : f32
    %broadcast_in_dim3A_82 = vector.broadcast %broadcast_in_dim3A_81 : f32 to vector<16xf32>
    %swap3A_83 = arith.constant 320 : index
    %swap3A_84 = tpu.vector_load %arg7[%swap3A_83] {strides = array<i32>} : memref<480xf32, #tpu.memory_space<vmem>>, vector<16xf32>,
    tpu.vector_store %arg7[%swap3A_83], %broadcast_in_dim3A_82 {strides = array<i32>} : memref<480xf32, #tpu.memory_space<vmem>>, vector<16xf32>,
    %broadcast_in_dim3A_85 = arith.constant 0.000000e+00 : f32
    %broadcast_in_dim3A_86 = vector.broadcast %broadcast_in_dim3A_85 : f32 to vector<16xf32>
    %swap3A_87 = arith.constant 336 : index
    %swap3A_88 = tpu.vector_load %arg7[%swap3A_87] {strides = array<i32>} : memref<480xf32, #tpu.memory_space<vmem>>, vector<16xf32>,
    tpu.vector_store %arg7[%swap3A_87], %broadcast_in_dim3A_86 {strides = array<i32>} : memref<480xf32, #tpu.memory_space<vmem>>, vector<16xf32>,
    %broadcast_in_dim3A_89 = arith.constant 0.000000e+00 : f32
    %broadcast_in_dim3A_90 = vector.broadcast %broadcast_in_dim3A_89 : f32 to vector<16xf32>
    %swap3A_91 = arith.constant 352 : index
    %swap3A_92 = tpu.vector_load %arg7[%swap3A_91] {strides = array<i32>} : memref<480xf32, #tpu.memory_space<vmem>>, vector<16xf32>,
    tpu.vector_store %arg7[%swap3A_91], %broadcast_in_dim3A_90 {strides = array<i32>} : memref<480xf32, #tpu.memory_space<vmem>>, vector<16xf32>,
    %broadcast_in_dim3A_93 = arith.constant 0.000000e+00 : f32
    %broadcast_in_dim3A_94 = vector.broadcast %broadcast_in_dim3A_93 : f32 to vector<16xf32>
    %swap3A_95 = arith.constant 368 : index
    %swap3A_96 = tpu.vector_load %arg7[%swap3A_95] {strides = array<i32>} : memref<480xf32, #tpu.memory_space<vmem>>, vector<16xf32>,
    tpu.vector_store %arg7[%swap3A_95], %broadcast_in_dim3A_94 {strides = array<i32>} : memref<480xf32, #tpu.memory_space<vmem>>, vector<16xf32>,
    %broadcast_in_dim3A_97 = arith.constant 0.000000e+00 : f32
    %broadcast_in_dim3A_98 = vector.broadcast %broadcast_in_dim3A_97 : f32 to vector<16xf32>
    %swap3A_99 = arith.constant 384 : index
    %swap3A_100 = tpu.vector_load %arg7[%swap3A_99] {strides = array<i32>} : memref<480xf32, #tpu.memory_space<vmem>>, vector<16xf32>,
    tpu.vector_store %arg7[%swap3A_99], %broadcast_in_dim3A_98 {strides = array<i32>} : memref<480xf32, #tpu.memory_space<vmem>>, vector<16xf32>,
    %broadcast_in_dim3A_101 = arith.constant 0.000000e+00 : f32
    %broadcast_in_dim3A_102 = vector.broadcast %broadcast_in_dim3A_101 : f32 to vector<16xf32>
    %swap3A_103 = arith.constant 400 : index
    %swap3A_104 = tpu.vector_load %arg7[%swap3A_103] {strides = array<i32>} : memref<480xf32, #tpu.memory_space<vmem>>, vector<16xf32>,
    tpu.vector_store %arg7[%swap3A_103], %broadcast_in_dim3A_102 {strides = array<i32>} : memref<480xf32, #tpu.memory_space<vmem>>, vector<16xf32>,
    %broadcast_in_dim3A_105 = arith.constant 0.000000e+00 : f32
    %broadcast_in_dim3A_106 = vector.broadcast %broadcast_in_dim3A_105 : f32 to vector<16xf32>
    %swap3A_107 = arith.constant 416 : index
    %swap3A_108 = tpu.vector_load %arg7[%swap3A_107] {strides = array<i32>} : memref<480xf32, #tpu.memory_space<vmem>>, vector<16xf32>,
    tpu.vector_store %arg7[%swap3A_107], %broadcast_in_dim3A_106 {strides = array<i32>} : memref<480xf32, #tpu.memory_space<vmem>>, vector<16xf32>,
    %broadcast_in_dim3A_109 = arith.constant 0.000000e+00 : f32
    %broadcast_in_dim3A_110 = vector.broadcast %broadcast_in_dim3A_109 : f32 to vector<16xf32>
    %swap3A_111 = arith.constant 432 : index
    %swap3A_112 = tpu.vector_load %arg7[%swap3A_111] {strides = array<i32>} : memref<480xf32, #tpu.memory_space<vmem>>, vector<16xf32>,
    tpu.vector_store %arg7[%swap3A_111], %broadcast_in_dim3A_110 {strides = array<i32>} : memref<480xf32, #tpu.memory_space<vmem>>, vector<16xf32>,
    %broadcast_in_dim3A_113 = arith.constant 0.000000e+00 : f32
    %broadcast_in_dim3A_114 = vector.broadcast %broadcast_in_dim3A_113 : f32 to vector<16xf32>
    %swap3A_115 = arith.constant 448 : index
    %swap3A_116 = tpu.vector_load %arg7[%swap3A_115] {strides = array<i32>} : memref<480xf32, #tpu.memory_space<vmem>>, vector<16xf32>,
    tpu.vector_store %arg7[%swap3A_115], %broadcast_in_dim3A_114 {strides = array<i32>} : memref<480xf32, #tpu.memory_space<vmem>>, vector<16xf32>,
    %broadcast_in_dim3A_117 = arith.constant 0.000000e+00 : f32
    %broadcast_in_dim3A_118 = vector.broadcast %broadcast_in_dim3A_117 : f32 to vector<16xf32>
    %swap3A_119 = arith.constant 464 : index
    %swap3A_120 = tpu.vector_load %arg7[%swap3A_119] {strides = array<i32>} : memref<480xf32, #tpu.memory_space<vmem>>, vector<16xf32>,
    tpu.vector_store %arg7[%swap3A_119], %broadcast_in_dim3A_118 {strides = array<i32>} : memref<480xf32, #tpu.memory_space<vmem>>, vector<16xf32>,
    "tpu.region"() ({
      %run_scoped3A = tpu.sem_alloc : memref<!tpu.dma_semaphore, #tpu.memory_space<semaphore_mem>>
      %dma_start3A = tpu.memref_slice %arg2[%mul3A_2] : memref<1048576xi32, #tpu.memory_space<hbm>> -> memref<32768xi32, #tpu.memory_space<hbm>>
      %dma_start3A_125 = tpu.memref_slice %arg2[%mul3A_2] : memref<1048576xi32, #tpu.memory_space<hbm>> -> memref<32768xi32, #tpu.memory_space<hbm>>
      tpu.enqueue_dma source(%dma_start3A_125 : memref<32768xi32, #tpu.memory_space<hbm>>) target(%arg5 : memref<32768xi32, #tpu.memory_space<vmem>>) target_semaphore(%run_scoped3A : memref<!tpu.dma_semaphore, #tpu.memory_space<semaphore_mem>>)
      %dma_wait3A = tpu.memref_slice %arg2[%mul3A_2] : memref<1048576xi32, #tpu.memory_space<hbm>> -> memref<32768xi32, #tpu.memory_space<hbm>>
      %dma_wait3A_126 = tpu.memref_slice %arg2[%mul3A_2] : memref<1048576xi32, #tpu.memory_space<hbm>> -> memref<32768xi32, #tpu.memory_space<hbm>>
      tpu.wait_dma2 semaphore(%run_scoped3A : memref<!tpu.dma_semaphore, #tpu.memory_space<semaphore_mem>>) src(%dma_wait3A_126 : memref<32768xi32, #tpu.memory_space<hbm>>) dst(%arg5 : memref<32768xi32, #tpu.memory_space<vmem>>)
      tpu.yield
    }) : () -> ()
    "tpu.region"() ({
      %run_scoped3A = tpu.sem_alloc : memref<!tpu.dma_semaphore, #tpu.memory_space<semaphore_mem>>
      %dma_start3A = tpu.memref_slice %arg3[%mul3A_2] : memref<1048576xi32, #tpu.memory_space<hbm>> -> memref<32768xi32, #tpu.memory_space<hbm>>
      %dma_start3A_125 = tpu.memref_slice %arg3[%mul3A_2] : memref<1048576xi32, #tpu.memory_space<hbm>> -> memref<32768xi32, #tpu.memory_space<hbm>>
      tpu.enqueue_dma source(%dma_start3A_125 : memref<32768xi32, #tpu.memory_space<hbm>>) target(%arg6 : memref<32768xi32, #tpu.memory_space<vmem>>) target_semaphore(%run_scoped3A : memref<!tpu.dma_semaphore, #tpu.memory_space<semaphore_mem>>)
      %dma_wait3A = tpu.memref_slice %arg3[%mul3A_2] : memref<1048576xi32, #tpu.memory_space<hbm>> -> memref<32768xi32, #tpu.memory_space<hbm>>
      %dma_wait3A_126 = tpu.memref_slice %arg3[%mul3A_2] : memref<1048576xi32, #tpu.memory_space<hbm>> -> memref<32768xi32, #tpu.memory_space<hbm>>
      tpu.wait_dma2 semaphore(%run_scoped3A : memref<!tpu.dma_semaphore, #tpu.memory_space<semaphore_mem>>) src(%dma_wait3A_126 : memref<32768xi32, #tpu.memory_space<hbm>>) dst(%arg6 : memref<32768xi32, #tpu.memory_space<vmem>>)
      tpu.yield
    }) : () -> ()
    %iota3A = tpu.iota {dimensions = array<i32: 0>} : vector<16xi32>
    %broadcast_in_dim3A_121 = arith.constant 1.000000e+00 : f32
    %broadcast_in_dim3A_122 = vector.broadcast %broadcast_in_dim3A_121 : f32 to vector<16xf32>
    %parallel_loop3A = arith.constant 0 : i32
    %parallel_loop3A_123 = arith.constant 32768 : i32
    %parallel_loop3A_124 = arith.constant 16 : i32
    scf.for %parallel_loop3A_125 = %parallel_loop3A to %parallel_loop3A_123 step %parallel_loop3A_124  : i32 {
      %parallel_loop3A_126 = arith.index_cast %parallel_loop3A_125 : i32 to index
      %parallel_loop3A_127 = tpu.vector_load %arg5[%parallel_loop3A_126] {strides = array<i32>} : memref<32768xi32, #tpu.memory_space<vmem>>, vector<16xi32>,
      %parallel_loop3A_128 = arith.index_cast %parallel_loop3A_125 : i32 to index
      %parallel_loop3A_129 = tpu.vector_load %arg6[%parallel_loop3A_128] {strides = array<i32>} : memref<32768xi32, #tpu.memory_space<vmem>>, vector<16xi32>,
      %parallel_loop3A_130 = arith.constant -64 : i32
      %parallel_loop3A_131 = vector.broadcast %parallel_loop3A_130 : i32 to vector<16xi32>
      %parallel_loop3A_132 = arith.andi %parallel_loop3A_127, %parallel_loop3A_131 : vector<16xi32>
      %parallel_loop3A_133 = tpu.bitcast %parallel_loop3A_132 : vector<16xi32> -> vector<16xf32>
      %parallel_loop3A_134 = arith.constant 63 : i32
      %parallel_loop3A_135 = vector.broadcast %parallel_loop3A_134 : i32 to vector<16xi32>
      %parallel_loop3A_136 = arith.andi %parallel_loop3A_127, %parallel_loop3A_135 : vector<16xi32>
      %parallel_loop3A_137 = arith.cmpi eq, %parallel_loop3A_136, %parallel_loop3A_129 : vector<16xi32>
      %parallel_loop3A_138 = arith.constant 1.000000e+00 : f32
      %parallel_loop3A_139 = arith.constant 0.000000e+00 : f32
      %parallel_loop3A_140 = vector.broadcast %parallel_loop3A_138 : f32 to vector<16xf32>
      %parallel_loop3A_141 = vector.broadcast %parallel_loop3A_139 : f32 to vector<16xf32>
      %parallel_loop3A_142 = arith.select %parallel_loop3A_137, %parallel_loop3A_140, %parallel_loop3A_141 : vector<16xi1>, vector<16xf32>
      %parallel_loop3A_143 = arith.constant 1.000000e+01 : f32
      %parallel_loop3A_144 = vector.broadcast %parallel_loop3A_143 : f32 to vector<16xf32>
      %parallel_loop3A_145 = arith.mulf %parallel_loop3A_133, %parallel_loop3A_144 : vector<16xf32>
      %parallel_loop3A_146 = arith.fptosi %parallel_loop3A_145 : vector<16xf32> to vector<16xi32>
      %parallel_loop3A_147 = arith.sitofp %parallel_loop3A_146 : vector<16xi32> to vector<16xf32>
      %parallel_loop3A_148 = arith.cmpf oeq, %parallel_loop3A_147, %parallel_loop3A_145 : vector<16xf32>
      %parallel_loop3A_149 = arith.constant 1 : i32
      %parallel_loop3A_150 = vector.broadcast %parallel_loop3A_149 : i32 to vector<16xi32>
      %parallel_loop3A_151 = arith.subi %parallel_loop3A_146, %parallel_loop3A_150 : vector<16xi32>
      %parallel_loop3A_152 = arith.select %parallel_loop3A_148, %parallel_loop3A_151, %parallel_loop3A_146 : vector<16xi1>, vector<16xi32>
      %parallel_loop3A_153 = arith.constant 0 : i32
      %parallel_loop3A_154 = arith.constant 9 : i32
      %parallel_loop3A_155 = vector.broadcast %parallel_loop3A_153 : i32 to vector<16xi32>
      %parallel_loop3A_156 = arith.maxsi %parallel_loop3A_155, %parallel_loop3A_152 : vector<16xi32>
      %parallel_loop3A_157 = vector.broadcast %parallel_loop3A_154 : i32 to vector<16xi32>
      %parallel_loop3A_158 = arith.minsi %parallel_loop3A_157, %parallel_loop3A_156 : vector<16xi32>
      %parallel_loop3A_159 = arith.constant 16 : i32
      %parallel_loop3A_160 = vector.broadcast %parallel_loop3A_159 : i32 to vector<16xi32>
      %parallel_loop3A_161 = arith.muli %parallel_loop3A_158, %parallel_loop3A_160 : vector<16xi32>
      %parallel_loop3A_162 = arith.addi %parallel_loop3A_161, %iota3A : vector<16xi32>
      tpu.vector_store_idx %arg7[%parallel_loop3A_162], %broadcast_in_dim3A_122 {add = true} : memref<480xf32, #tpu.memory_space<vmem>>[vector<16xi32>], vector<16xf32>,
      %parallel_loop3A_163 = arith.constant 160 : i32
      %parallel_loop3A_164 = vector.broadcast %parallel_loop3A_163 : i32 to vector<16xi32>
      %parallel_loop3A_165 = arith.addi %parallel_loop3A_162, %parallel_loop3A_164 : vector<16xi32>
      tpu.vector_store_idx %arg7[%parallel_loop3A_165], %parallel_loop3A_133 {add = true} : memref<480xf32, #tpu.memory_space<vmem>>[vector<16xi32>], vector<16xf32>,
      %parallel_loop3A_166 = arith.constant 320 : i32
      %parallel_loop3A_167 = vector.broadcast %parallel_loop3A_166 : i32 to vector<16xi32>
      %parallel_loop3A_168 = arith.addi %parallel_loop3A_162, %parallel_loop3A_167 : vector<16xi32>
      tpu.vector_store_idx %arg7[%parallel_loop3A_168], %parallel_loop3A_142 {add = true} : memref<480xf32, #tpu.memory_space<vmem>>[vector<16xi32>], vector<16xf32>,
    } {sc.loop_unroll_factor = 16 : i64, sc.parallel_access}
    "tpu.region"() ({
      %run_scoped3A = tpu.sem_alloc : memref<!tpu.dma_semaphore, #tpu.memory_space<semaphore_mem>>
      %dma_start3A = arith.constant 0 : i32
      %dma_start3A_125 = tpu.memref_slice %arg4[%add3A, %dma_start3A] : memref<32x480xf32, #tpu.memory_space<hbm>> -> memref<1x480xf32, #tpu.memory_space<hbm>>
      %dma_start3A_126 = tpu.memref_squeeze %dma_start3A_125 : memref<1x480xf32, #tpu.memory_space<hbm>> -> memref<480xf32, #tpu.memory_space<hbm>>
      %dma_start3A_127 = arith.constant 0 : i32
      %dma_start3A_128 = tpu.memref_slice %arg4[%add3A, %dma_start3A_127] : memref<32x480xf32, #tpu.memory_space<hbm>> -> memref<1x480xf32, #tpu.memory_space<hbm>>
      %dma_start3A_129 = tpu.memref_squeeze %dma_start3A_128 : memref<1x480xf32, #tpu.memory_space<hbm>> -> memref<480xf32, #tpu.memory_space<hbm>>
      tpu.enqueue_dma source(%arg7 : memref<480xf32, #tpu.memory_space<vmem>>) target(%dma_start3A_129 : memref<480xf32, #tpu.memory_space<hbm>>) target_semaphore(%run_scoped3A : memref<!tpu.dma_semaphore, #tpu.memory_space<semaphore_mem>>)
      %dma_wait3A = arith.constant 0 : i32
      %dma_wait3A_130 = tpu.memref_slice %arg4[%add3A, %dma_wait3A] : memref<32x480xf32, #tpu.memory_space<hbm>> -> memref<1x480xf32, #tpu.memory_space<hbm>>
      %dma_wait3A_131 = tpu.memref_squeeze %dma_wait3A_130 : memref<1x480xf32, #tpu.memory_space<hbm>> -> memref<480xf32, #tpu.memory_space<hbm>>
      %dma_wait3A_132 = arith.constant 0 : i32
      %dma_wait3A_133 = tpu.memref_slice %arg4[%add3A, %dma_wait3A_132] : memref<32x480xf32, #tpu.memory_space<hbm>> -> memref<1x480xf32, #tpu.memory_space<hbm>>
      %dma_wait3A_134 = tpu.memref_squeeze %dma_wait3A_133 : memref<1x480xf32, #tpu.memory_space<hbm>> -> memref<480xf32, #tpu.memory_space<hbm>>
      tpu.wait_dma2 semaphore(%run_scoped3A : memref<!tpu.dma_semaphore, #tpu.memory_space<semaphore_mem>>) src(%arg7 : memref<480xf32, #tpu.memory_space<vmem>>) dst(%dma_wait3A_134 : memref<480xf32, #tpu.memory_space<hbm>>)
      tpu.yield
    }) : () -> ()
    return
  }
}

module attributes {stable_mosaic.version = 14 : i64} {
  func.func @_dense_stage_body(%arg0: i32, %arg1: memref<2048x64xf32, #tpu.memory_space<vmem>>, %arg2: memref<2048x64xf32, #tpu.memory_space<vmem>>, %arg3: memref<2048x64xf32, #tpu.memory_space<vmem>>, %arg4: memref<2048x64xf32, #tpu.memory_space<vmem>>, %arg5: memref<1x16x128xi32, #tpu.memory_space<vmem>>, %arg6: memref<1x16x128xi32, #tpu.memory_space<vmem>>, %arg7: memref<1x16x128xi32, #tpu.memory_space<vmem>>, %arg8: memref<1x16x128xi32, #tpu.memory_space<vmem>>) attributes {dimension_semantics = [#tpu.dimension_semantics<arbitrary>], iteration_bounds = array<i64: 128>, scalar_prefetch = 0 : i64, scratch_operands = 0 : i64, tpu.core_type = #tpu.core_type<tc>, window_params = [{transform_indices = @transform_0, window_bounds = array<i64: 2048, 64>}, {transform_indices = @transform_1, window_bounds = array<i64: 2048, 64>}, {transform_indices = @transform_2, window_bounds = array<i64: 2048, 64>}, {transform_indices = @transform_3, window_bounds = array<i64: 2048, 64>}, {transform_indices = @transform_4, window_bounds = array<i64: 1, 16, 128>}, {transform_indices = @transform_5, window_bounds = array<i64: 1, 16, 128>}, {transform_indices = @transform_6, window_bounds = array<i64: 1, 16, 128>}, {transform_indices = @transform_7, window_bounds = array<i64: 1, 16, 128>}]} {
    %get3A = arith.constant 0 : index
    %get3A_0 = arith.constant 0 : index
    %get3A_1 = vector.load %arg1[%get3A, %get3A_0] : memref<2048x64xf32, #tpu.memory_space<vmem>>, vector<2048x64xf32>
    %bitcast_convert_type3A = tpu.bitcast %get3A_1 : vector<2048x64xf32> -> vector<2048x64xi32>
    %iota3A = tpu.iota {dimensions = array<i32: 1>} : vector<2048x64xi32>
    %and3A = arith.constant -64 : i32
    %and3A_2 = vector.broadcast %and3A : i32 to vector<2048x64xi32>
    %and3A_3 = arith.andi %bitcast_convert_type3A, %and3A_2 : vector<2048x64xi32>
    %sub3A = arith.constant 63 : i32
    %sub3A_4 = vector.broadcast %sub3A : i32 to vector<2048x64xi32>
    %sub3A_5 = arith.subi %sub3A_4, %iota3A : vector<2048x64xi32>
    %or3A = arith.ori %and3A_3, %sub3A_5 : vector<2048x64xi32>
    %bitcast_convert_type3A_6 = tpu.bitcast %or3A : vector<2048x64xi32> -> vector<2048x64xf32>
    %reduce_max3A = arith.constant dense<0xFF800000> : vector<2048xf32>
    %reduce_max3A_7 = vector.multi_reduction <maximumf>, %bitcast_convert_type3A_6, %reduce_max3A [1] : vector<2048x64xf32> to vector<2048xf32>
    %broadcast_in_dim3A = vector.shape_cast %reduce_max3A_7 : vector<2048xf32> to vector<2048x1xf32>
    %bitcast_convert_type3A_8 = tpu.bitcast %broadcast_in_dim3A : vector<2048x1xf32> -> vector<2048x1xi32>
    %and3A_9 = arith.constant 63 : i32
    %and3A_10 = vector.broadcast %and3A_9 : i32 to vector<2048x1xi32>
    %and3A_11 = arith.andi %bitcast_convert_type3A_8, %and3A_10 : vector<2048x1xi32>
    %sub3A_12 = arith.constant 63 : i32
    %sub3A_13 = vector.broadcast %sub3A_12 : i32 to vector<2048x1xi32>
    %sub3A_14 = arith.subi %sub3A_13, %and3A_11 : vector<2048x1xi32>
    %and3A_15 = arith.constant -64 : i32
    %and3A_16 = vector.broadcast %and3A_15 : i32 to vector<2048x1xi32>
    %and3A_17 = arith.andi %bitcast_convert_type3A_8, %and3A_16 : vector<2048x1xi32>
    %bitcast_convert_type3A_18 = tpu.bitcast %and3A_17 : vector<2048x1xi32> -> vector<2048x1xf32>
    %sub3A_19 = vector.broadcast %bitcast_convert_type3A_18 : vector<2048x1xf32> to vector<2048x64xf32>
    %sub3A_20 = arith.subf %get3A_1, %sub3A_19 : vector<2048x64xf32>
    %exp3A = math.exp %sub3A_20 : vector<2048x64xf32>
    %reduce_sum3A = arith.constant dense<0.000000e+00> : vector<2048xf32>
    %reduce_sum3A_21 = vector.multi_reduction <add>, %exp3A, %reduce_sum3A [1] : vector<2048x64xf32> to vector<2048xf32>
    %broadcast_in_dim3A_22 = vector.shape_cast %reduce_sum3A_21 : vector<2048xf32> to vector<2048x1xf32>
    %div3A = arith.constant 1.000000e+00 : f32
    %div3A_23 = vector.broadcast %div3A : f32 to vector<2048x1xf32>
    %div3A_24 = arith.divf %div3A_23, %broadcast_in_dim3A_22 : vector<2048x1xf32>
    %bitcast_convert_type3A_25 = tpu.bitcast %div3A_24 : vector<2048x1xf32> -> vector<2048x1xi32>
    %add3A = arith.constant 32 : i32
    %add3A_26 = vector.broadcast %add3A : i32 to vector<2048x1xi32>
    %add3A_27 = arith.addi %bitcast_convert_type3A_25, %add3A_26 : vector<2048x1xi32>
    %and3A_28 = arith.constant -64 : i32
    %and3A_29 = vector.broadcast %and3A_28 : i32 to vector<2048x1xi32>
    %and3A_30 = arith.andi %add3A_27, %and3A_29 : vector<2048x1xi32>
    %or3A_31 = arith.ori %and3A_30, %sub3A_14 : vector<2048x1xi32>
    %reshape3A = vector.shape_cast %or3A_31 : vector<2048x1xi32> to vector<1x16x128xi32>
    %swap3A = arith.constant 0 : index
    %swap3A_32 = arith.constant 0 : index
    %swap3A_33 = arith.constant 0 : index
    %swap3A_34 = vector.load %arg5[%swap3A, %swap3A_32, %swap3A_33] : memref<1x16x128xi32, #tpu.memory_space<vmem>>, vector<1x16x128xi32>
    tpu.vector_store %arg5[%swap3A, %swap3A_32, %swap3A_33], %reshape3A {strides = array<i32>} : memref<1x16x128xi32, #tpu.memory_space<vmem>>, vector<1x16x128xi32>,
    %get3A_35 = arith.constant 0 : index
    %get3A_36 = arith.constant 0 : index
    %get3A_37 = vector.load %arg2[%get3A_35, %get3A_36] : memref<2048x64xf32, #tpu.memory_space<vmem>>, vector<2048x64xf32>
    %bitcast_convert_type3A_38 = tpu.bitcast %get3A_37 : vector<2048x64xf32> -> vector<2048x64xi32>
    %iota3A_39 = tpu.iota {dimensions = array<i32: 1>} : vector<2048x64xi32>
    %and3A_40 = arith.constant -64 : i32
    %and3A_41 = vector.broadcast %and3A_40 : i32 to vector<2048x64xi32>
    %and3A_42 = arith.andi %bitcast_convert_type3A_38, %and3A_41 : vector<2048x64xi32>
    %sub3A_43 = arith.constant 63 : i32
    %sub3A_44 = vector.broadcast %sub3A_43 : i32 to vector<2048x64xi32>
    %sub3A_45 = arith.subi %sub3A_44, %iota3A_39 : vector<2048x64xi32>
    %or3A_46 = arith.ori %and3A_42, %sub3A_45 : vector<2048x64xi32>
    %bitcast_convert_type3A_47 = tpu.bitcast %or3A_46 : vector<2048x64xi32> -> vector<2048x64xf32>
    %reduce_max3A_48 = arith.constant dense<0xFF800000> : vector<2048xf32>
    %reduce_max3A_49 = vector.multi_reduction <maximumf>, %bitcast_convert_type3A_47, %reduce_max3A_48 [1] : vector<2048x64xf32> to vector<2048xf32>
    %broadcast_in_dim3A_50 = vector.shape_cast %reduce_max3A_49 : vector<2048xf32> to vector<2048x1xf32>
    %bitcast_convert_type3A_51 = tpu.bitcast %broadcast_in_dim3A_50 : vector<2048x1xf32> -> vector<2048x1xi32>
    %and3A_52 = arith.constant 63 : i32
    %and3A_53 = vector.broadcast %and3A_52 : i32 to vector<2048x1xi32>
    %and3A_54 = arith.andi %bitcast_convert_type3A_51, %and3A_53 : vector<2048x1xi32>
    %sub3A_55 = arith.constant 63 : i32
    %sub3A_56 = vector.broadcast %sub3A_55 : i32 to vector<2048x1xi32>
    %sub3A_57 = arith.subi %sub3A_56, %and3A_54 : vector<2048x1xi32>
    %and3A_58 = arith.constant -64 : i32
    %and3A_59 = vector.broadcast %and3A_58 : i32 to vector<2048x1xi32>
    %and3A_60 = arith.andi %bitcast_convert_type3A_51, %and3A_59 : vector<2048x1xi32>
    %bitcast_convert_type3A_61 = tpu.bitcast %and3A_60 : vector<2048x1xi32> -> vector<2048x1xf32>
    %sub3A_62 = vector.broadcast %bitcast_convert_type3A_61 : vector<2048x1xf32> to vector<2048x64xf32>
    %sub3A_63 = arith.subf %get3A_37, %sub3A_62 : vector<2048x64xf32>
    %exp3A_64 = math.exp %sub3A_63 : vector<2048x64xf32>
    %reduce_sum3A_65 = arith.constant dense<0.000000e+00> : vector<2048xf32>
    %reduce_sum3A_66 = vector.multi_reduction <add>, %exp3A_64, %reduce_sum3A_65 [1] : vector<2048x64xf32> to vector<2048xf32>
    %broadcast_in_dim3A_67 = vector.shape_cast %reduce_sum3A_66 : vector<2048xf32> to vector<2048x1xf32>
    %div3A_68 = arith.constant 1.000000e+00 : f32
    %div3A_69 = vector.broadcast %div3A_68 : f32 to vector<2048x1xf32>
    %div3A_70 = arith.divf %div3A_69, %broadcast_in_dim3A_67 : vector<2048x1xf32>
    %bitcast_convert_type3A_71 = tpu.bitcast %div3A_70 : vector<2048x1xf32> -> vector<2048x1xi32>
    %add3A_72 = arith.constant 32 : i32
    %add3A_73 = vector.broadcast %add3A_72 : i32 to vector<2048x1xi32>
    %add3A_74 = arith.addi %bitcast_convert_type3A_71, %add3A_73 : vector<2048x1xi32>
    %and3A_75 = arith.constant -64 : i32
    %and3A_76 = vector.broadcast %and3A_75 : i32 to vector<2048x1xi32>
    %and3A_77 = arith.andi %add3A_74, %and3A_76 : vector<2048x1xi32>
    %or3A_78 = arith.ori %and3A_77, %sub3A_57 : vector<2048x1xi32>
    %reshape3A_79 = vector.shape_cast %or3A_78 : vector<2048x1xi32> to vector<1x16x128xi32>
    %swap3A_80 = arith.constant 0 : index
    %swap3A_81 = arith.constant 0 : index
    %swap3A_82 = arith.constant 0 : index
    %swap3A_83 = vector.load %arg6[%swap3A_80, %swap3A_81, %swap3A_82] : memref<1x16x128xi32, #tpu.memory_space<vmem>>, vector<1x16x128xi32>
    tpu.vector_store %arg6[%swap3A_80, %swap3A_81, %swap3A_82], %reshape3A_79 {strides = array<i32>} : memref<1x16x128xi32, #tpu.memory_space<vmem>>, vector<1x16x128xi32>,
    %get3A_84 = arith.constant 0 : index
    %get3A_85 = arith.constant 0 : index
    %get3A_86 = vector.load %arg3[%get3A_84, %get3A_85] : memref<2048x64xf32, #tpu.memory_space<vmem>>, vector<2048x64xf32>
    %bitcast_convert_type3A_87 = tpu.bitcast %get3A_86 : vector<2048x64xf32> -> vector<2048x64xi32>
    %iota3A_88 = tpu.iota {dimensions = array<i32: 1>} : vector<2048x64xi32>
    %and3A_89 = arith.constant -64 : i32
    %and3A_90 = vector.broadcast %and3A_89 : i32 to vector<2048x64xi32>
    %and3A_91 = arith.andi %bitcast_convert_type3A_87, %and3A_90 : vector<2048x64xi32>
    %sub3A_92 = arith.constant 63 : i32
    %sub3A_93 = vector.broadcast %sub3A_92 : i32 to vector<2048x64xi32>
    %sub3A_94 = arith.subi %sub3A_93, %iota3A_88 : vector<2048x64xi32>
    %or3A_95 = arith.ori %and3A_91, %sub3A_94 : vector<2048x64xi32>
    %bitcast_convert_type3A_96 = tpu.bitcast %or3A_95 : vector<2048x64xi32> -> vector<2048x64xf32>
    %reduce_max3A_97 = arith.constant dense<0xFF800000> : vector<2048xf32>
    %reduce_max3A_98 = vector.multi_reduction <maximumf>, %bitcast_convert_type3A_96, %reduce_max3A_97 [1] : vector<2048x64xf32> to vector<2048xf32>
    %broadcast_in_dim3A_99 = vector.shape_cast %reduce_max3A_98 : vector<2048xf32> to vector<2048x1xf32>
    %bitcast_convert_type3A_100 = tpu.bitcast %broadcast_in_dim3A_99 : vector<2048x1xf32> -> vector<2048x1xi32>
    %and3A_101 = arith.constant 63 : i32
    %and3A_102 = vector.broadcast %and3A_101 : i32 to vector<2048x1xi32>
    %and3A_103 = arith.andi %bitcast_convert_type3A_100, %and3A_102 : vector<2048x1xi32>
    %sub3A_104 = arith.constant 63 : i32
    %sub3A_105 = vector.broadcast %sub3A_104 : i32 to vector<2048x1xi32>
    %sub3A_106 = arith.subi %sub3A_105, %and3A_103 : vector<2048x1xi32>
    %and3A_107 = arith.constant -64 : i32
    %and3A_108 = vector.broadcast %and3A_107 : i32 to vector<2048x1xi32>
    %and3A_109 = arith.andi %bitcast_convert_type3A_100, %and3A_108 : vector<2048x1xi32>
    %bitcast_convert_type3A_110 = tpu.bitcast %and3A_109 : vector<2048x1xi32> -> vector<2048x1xf32>
    %sub3A_111 = vector.broadcast %bitcast_convert_type3A_110 : vector<2048x1xf32> to vector<2048x64xf32>
    %sub3A_112 = arith.subf %get3A_86, %sub3A_111 : vector<2048x64xf32>
    %exp3A_113 = math.exp %sub3A_112 : vector<2048x64xf32>
    %reduce_sum3A_114 = arith.constant dense<0.000000e+00> : vector<2048xf32>
    %reduce_sum3A_115 = vector.multi_reduction <add>, %exp3A_113, %reduce_sum3A_114 [1] : vector<2048x64xf32> to vector<2048xf32>
    %broadcast_in_dim3A_116 = vector.shape_cast %reduce_sum3A_115 : vector<2048xf32> to vector<2048x1xf32>
    %div3A_117 = arith.constant 1.000000e+00 : f32
    %div3A_118 = vector.broadcast %div3A_117 : f32 to vector<2048x1xf32>
    %div3A_119 = arith.divf %div3A_118, %broadcast_in_dim3A_116 : vector<2048x1xf32>
    %bitcast_convert_type3A_120 = tpu.bitcast %div3A_119 : vector<2048x1xf32> -> vector<2048x1xi32>
    %add3A_121 = arith.constant 32 : i32
    %add3A_122 = vector.broadcast %add3A_121 : i32 to vector<2048x1xi32>
    %add3A_123 = arith.addi %bitcast_convert_type3A_120, %add3A_122 : vector<2048x1xi32>
    %and3A_124 = arith.constant -64 : i32
    %and3A_125 = vector.broadcast %and3A_124 : i32 to vector<2048x1xi32>
    %and3A_126 = arith.andi %add3A_123, %and3A_125 : vector<2048x1xi32>
    %or3A_127 = arith.ori %and3A_126, %sub3A_106 : vector<2048x1xi32>
    %reshape3A_128 = vector.shape_cast %or3A_127 : vector<2048x1xi32> to vector<1x16x128xi32>
    %swap3A_129 = arith.constant 0 : index
    %swap3A_130 = arith.constant 0 : index
    %swap3A_131 = arith.constant 0 : index
    %swap3A_132 = vector.load %arg7[%swap3A_129, %swap3A_130, %swap3A_131] : memref<1x16x128xi32, #tpu.memory_space<vmem>>, vector<1x16x128xi32>
    tpu.vector_store %arg7[%swap3A_129, %swap3A_130, %swap3A_131], %reshape3A_128 {strides = array<i32>} : memref<1x16x128xi32, #tpu.memory_space<vmem>>, vector<1x16x128xi32>,
    %get3A_133 = arith.constant 0 : index
    %get3A_134 = arith.constant 0 : index
    %get3A_135 = vector.load %arg4[%get3A_133, %get3A_134] : memref<2048x64xf32, #tpu.memory_space<vmem>>, vector<2048x64xf32>
    %bitcast_convert_type3A_136 = tpu.bitcast %get3A_135 : vector<2048x64xf32> -> vector<2048x64xi32>
    %iota3A_137 = tpu.iota {dimensions = array<i32: 1>} : vector<2048x64xi32>
    %and3A_138 = arith.constant -64 : i32
    %and3A_139 = vector.broadcast %and3A_138 : i32 to vector<2048x64xi32>
    %and3A_140 = arith.andi %bitcast_convert_type3A_136, %and3A_139 : vector<2048x64xi32>
    %sub3A_141 = arith.constant 63 : i32
    %sub3A_142 = vector.broadcast %sub3A_141 : i32 to vector<2048x64xi32>
    %sub3A_143 = arith.subi %sub3A_142, %iota3A_137 : vector<2048x64xi32>
    %or3A_144 = arith.ori %and3A_140, %sub3A_143 : vector<2048x64xi32>
    %bitcast_convert_type3A_145 = tpu.bitcast %or3A_144 : vector<2048x64xi32> -> vector<2048x64xf32>
    %reduce_max3A_146 = arith.constant dense<0xFF800000> : vector<2048xf32>
    %reduce_max3A_147 = vector.multi_reduction <maximumf>, %bitcast_convert_type3A_145, %reduce_max3A_146 [1] : vector<2048x64xf32> to vector<2048xf32>
    %broadcast_in_dim3A_148 = vector.shape_cast %reduce_max3A_147 : vector<2048xf32> to vector<2048x1xf32>
    %bitcast_convert_type3A_149 = tpu.bitcast %broadcast_in_dim3A_148 : vector<2048x1xf32> -> vector<2048x1xi32>
    %and3A_150 = arith.constant 63 : i32
    %and3A_151 = vector.broadcast %and3A_150 : i32 to vector<2048x1xi32>
    %and3A_152 = arith.andi %bitcast_convert_type3A_149, %and3A_151 : vector<2048x1xi32>
    %sub3A_153 = arith.constant 63 : i32
    %sub3A_154 = vector.broadcast %sub3A_153 : i32 to vector<2048x1xi32>
    %sub3A_155 = arith.subi %sub3A_154, %and3A_152 : vector<2048x1xi32>
    %and3A_156 = arith.constant -64 : i32
    %and3A_157 = vector.broadcast %and3A_156 : i32 to vector<2048x1xi32>
    %and3A_158 = arith.andi %bitcast_convert_type3A_149, %and3A_157 : vector<2048x1xi32>
    %bitcast_convert_type3A_159 = tpu.bitcast %and3A_158 : vector<2048x1xi32> -> vector<2048x1xf32>
    %sub3A_160 = vector.broadcast %bitcast_convert_type3A_159 : vector<2048x1xf32> to vector<2048x64xf32>
    %sub3A_161 = arith.subf %get3A_135, %sub3A_160 : vector<2048x64xf32>
    %exp3A_162 = math.exp %sub3A_161 : vector<2048x64xf32>
    %reduce_sum3A_163 = arith.constant dense<0.000000e+00> : vector<2048xf32>
    %reduce_sum3A_164 = vector.multi_reduction <add>, %exp3A_162, %reduce_sum3A_163 [1] : vector<2048x64xf32> to vector<2048xf32>
    %broadcast_in_dim3A_165 = vector.shape_cast %reduce_sum3A_164 : vector<2048xf32> to vector<2048x1xf32>
    %div3A_166 = arith.constant 1.000000e+00 : f32
    %div3A_167 = vector.broadcast %div3A_166 : f32 to vector<2048x1xf32>
    %div3A_168 = arith.divf %div3A_167, %broadcast_in_dim3A_165 : vector<2048x1xf32>
    %bitcast_convert_type3A_169 = tpu.bitcast %div3A_168 : vector<2048x1xf32> -> vector<2048x1xi32>
    %add3A_170 = arith.constant 32 : i32
    %add3A_171 = vector.broadcast %add3A_170 : i32 to vector<2048x1xi32>
    %add3A_172 = arith.addi %bitcast_convert_type3A_169, %add3A_171 : vector<2048x1xi32>
    %and3A_173 = arith.constant -64 : i32
    %and3A_174 = vector.broadcast %and3A_173 : i32 to vector<2048x1xi32>
    %and3A_175 = arith.andi %add3A_172, %and3A_174 : vector<2048x1xi32>
    %or3A_176 = arith.ori %and3A_175, %sub3A_155 : vector<2048x1xi32>
    %reshape3A_177 = vector.shape_cast %or3A_176 : vector<2048x1xi32> to vector<1x16x128xi32>
    %swap3A_178 = arith.constant 0 : index
    %swap3A_179 = arith.constant 0 : index
    %swap3A_180 = arith.constant 0 : index
    %swap3A_181 = vector.load %arg8[%swap3A_178, %swap3A_179, %swap3A_180] : memref<1x16x128xi32, #tpu.memory_space<vmem>>, vector<1x16x128xi32>
    tpu.vector_store %arg8[%swap3A_178, %swap3A_179, %swap3A_180], %reshape3A_177 {strides = array<i32>} : memref<1x16x128xi32, #tpu.memory_space<vmem>>, vector<1x16x128xi32>,
    return
  }
  func.func @transform_0(%arg0: i32) -> (i32, i32) {
    %mul3A = arith.constant 4 : i32
    %mul3A_0 = arith.muli %mul3A, %arg0 : i32
    %add3A = arith.constant 0 : i32
    %add3A_1 = arith.addi %mul3A_0, %add3A : i32
    %c0_i32 = arith.constant 0 : i32
    %c0_i32_2 = arith.constant 0 : i32
    return %add3A_1, %c0_i32 : i32, i32
  }
  func.func @transform_1(%arg0: i32) -> (i32, i32) {
    %mul3A = arith.constant 4 : i32
    %mul3A_0 = arith.muli %mul3A, %arg0 : i32
    %add3A = arith.constant 1 : i32
    %add3A_1 = arith.addi %mul3A_0, %add3A : i32
    %c0_i32 = arith.constant 0 : i32
    %c0_i32_2 = arith.constant 0 : i32
    return %add3A_1, %c0_i32 : i32, i32
  }
  func.func @transform_2(%arg0: i32) -> (i32, i32) {
    %mul3A = arith.constant 4 : i32
    %mul3A_0 = arith.muli %mul3A, %arg0 : i32
    %add3A = arith.constant 2 : i32
    %add3A_1 = arith.addi %mul3A_0, %add3A : i32
    %c0_i32 = arith.constant 0 : i32
    %c0_i32_2 = arith.constant 0 : i32
    return %add3A_1, %c0_i32 : i32, i32
  }
  func.func @transform_3(%arg0: i32) -> (i32, i32) {
    %mul3A = arith.constant 4 : i32
    %mul3A_0 = arith.muli %mul3A, %arg0 : i32
    %add3A = arith.constant 3 : i32
    %add3A_1 = arith.addi %mul3A_0, %add3A : i32
    %c0_i32 = arith.constant 0 : i32
    %c0_i32_2 = arith.constant 0 : i32
    return %add3A_1, %c0_i32 : i32, i32
  }
  func.func @transform_4(%arg0: i32) -> (i32, i32, i32) {
    %c0_i32 = arith.constant 0 : i32
    %c0_i32_0 = arith.constant 0 : i32
    %c0_i32_1 = arith.constant 0 : i32
    return %arg0, %c0_i32, %c0_i32_0 : i32, i32, i32
  }
  func.func @transform_5(%arg0: i32) -> (i32, i32, i32) {
    %c0_i32 = arith.constant 0 : i32
    %c0_i32_0 = arith.constant 0 : i32
    %c0_i32_1 = arith.constant 0 : i32
    return %arg0, %c0_i32, %c0_i32_0 : i32, i32, i32
  }
  func.func @transform_6(%arg0: i32) -> (i32, i32, i32) {
    %c0_i32 = arith.constant 0 : i32
    %c0_i32_0 = arith.constant 0 : i32
    %c0_i32_1 = arith.constant 0 : i32
    return %arg0, %c0_i32, %c0_i32_0 : i32, i32, i32
  }
  func.func @transform_7(%arg0: i32) -> (i32, i32, i32) {
    %c0_i32 = arith.constant 0 : i32
    %c0_i32_0 = arith.constant 0 : i32
    %c0_i32_1 = arith.constant 0 : i32
    return %arg0, %c0_i32, %c0_i32_0 : i32, i32, i32
  }
}

module attributes {stable_mosaic.version = 14 : i64} {
  func.func @_combine_body(%arg0: memref<32x480xf32, #tpu.memory_space<vmem>>, %arg1: memref<1x1xf32, #tpu.memory_space<vmem>>) attributes {dimension_semantics = [], scalar_prefetch = 0 : i64, scratch_operands = 0 : i64, tpu.core_type = #tpu.core_type<tc>} {
    %get3A = arith.constant 0 : index
    %get3A_0 = arith.constant 0 : index
    %get3A_1 = vector.load %arg0[%get3A, %get3A_0] : memref<32x480xf32, #tpu.memory_space<vmem>>, vector<32x480xf32>
    %slice3A = vector.extract_strided_slice %get3A_1 {offsets = [0, 0], sizes = [32, 16], strides = [1, 1]} : vector<32x480xf32> to vector<32x16xf32>
    %reduce_sum3A = vector.shape_cast %slice3A : vector<32x16xf32> to vector<1x32x16xf32>
    %reduce_sum3A_2 = arith.constant dense<0.000000e+00> : vector<1xf32>
    %reduce_sum3A_3 = vector.multi_reduction <add>, %reduce_sum3A, %reduce_sum3A_2 [1, 2] : vector<1x32x16xf32> to vector<1xf32>
    %reduce_sum3A_4 = vector.shape_cast %reduce_sum3A_3 : vector<1xf32> to vector<1x1x1xf32>
    %reduce_sum3A_5 = vector.extract %reduce_sum3A_4[0, 0, 0] : f32 from vector<1x1x1xf32>
    %slice3A_6 = vector.extract_strided_slice %get3A_1 {offsets = [0, 160], sizes = [32, 16], strides = [1, 1]} : vector<32x480xf32> to vector<32x16xf32>
    %reduce_sum3A_7 = vector.shape_cast %slice3A_6 : vector<32x16xf32> to vector<1x32x16xf32>
    %reduce_sum3A_8 = arith.constant dense<0.000000e+00> : vector<1xf32>
    %reduce_sum3A_9 = vector.multi_reduction <add>, %reduce_sum3A_7, %reduce_sum3A_8 [1, 2] : vector<1x32x16xf32> to vector<1xf32>
    %reduce_sum3A_10 = vector.shape_cast %reduce_sum3A_9 : vector<1xf32> to vector<1x1x1xf32>
    %reduce_sum3A_11 = vector.extract %reduce_sum3A_10[0, 0, 0] : f32 from vector<1x1x1xf32>
    %slice3A_12 = vector.extract_strided_slice %get3A_1 {offsets = [0, 320], sizes = [32, 16], strides = [1, 1]} : vector<32x480xf32> to vector<32x16xf32>
    %reduce_sum3A_13 = vector.shape_cast %slice3A_12 : vector<32x16xf32> to vector<1x32x16xf32>
    %reduce_sum3A_14 = arith.constant dense<0.000000e+00> : vector<1xf32>
    %reduce_sum3A_15 = vector.multi_reduction <add>, %reduce_sum3A_13, %reduce_sum3A_14 [1, 2] : vector<1x32x16xf32> to vector<1xf32>
    %reduce_sum3A_16 = vector.shape_cast %reduce_sum3A_15 : vector<1xf32> to vector<1x1x1xf32>
    %reduce_sum3A_17 = vector.extract %reduce_sum3A_16[0, 0, 0] : f32 from vector<1x1x1xf32>
    %max3A = arith.constant 1.000000e+00 : f32
    %max3A_18 = arith.maximumf %reduce_sum3A_5, %max3A : f32
    %gt3A = arith.constant 0.000000e+00 : f32
    %gt3A_19 = arith.cmpf ogt, %reduce_sum3A_5, %gt3A : f32
    %div3A = arith.divf %reduce_sum3A_11, %max3A_18 : f32
    %div3A_20 = arith.divf %reduce_sum3A_17, %max3A_18 : f32
    %sub3A = arith.subf %div3A, %div3A_20 : f32
    %abs3A = math.absf %sub3A : f32
    %mul3A = arith.constant 9.53674316E-7 : f32
    %mul3A_21 = arith.mulf %reduce_sum3A_5, %mul3A : f32
    %mul3A_22 = arith.mulf %abs3A, %mul3A_21 : f32
    %jit3A = arith.constant 0.000000e+00 : f32
    %select_n3A = arith.select %gt3A_19, %mul3A_22, %jit3A : f32
    %add3A = arith.constant 0.000000e+00 : f32
    %add3A_23 = arith.addf %add3A, %select_n3A : f32
    %slice3A_24 = vector.extract_strided_slice %get3A_1 {offsets = [0, 16], sizes = [32, 16], strides = [1, 1]} : vector<32x480xf32> to vector<32x16xf32>
    %reduce_sum3A_25 = vector.shape_cast %slice3A_24 : vector<32x16xf32> to vector<1x32x16xf32>
    %reduce_sum3A_26 = arith.constant dense<0.000000e+00> : vector<1xf32>
    %reduce_sum3A_27 = vector.multi_reduction <add>, %reduce_sum3A_25, %reduce_sum3A_26 [1, 2] : vector<1x32x16xf32> to vector<1xf32>
    %reduce_sum3A_28 = vector.shape_cast %reduce_sum3A_27 : vector<1xf32> to vector<1x1x1xf32>
    %reduce_sum3A_29 = vector.extract %reduce_sum3A_28[0, 0, 0] : f32 from vector<1x1x1xf32>
    %slice3A_30 = vector.extract_strided_slice %get3A_1 {offsets = [0, 176], sizes = [32, 16], strides = [1, 1]} : vector<32x480xf32> to vector<32x16xf32>
    %reduce_sum3A_31 = vector.shape_cast %slice3A_30 : vector<32x16xf32> to vector<1x32x16xf32>
    %reduce_sum3A_32 = arith.constant dense<0.000000e+00> : vector<1xf32>
    %reduce_sum3A_33 = vector.multi_reduction <add>, %reduce_sum3A_31, %reduce_sum3A_32 [1, 2] : vector<1x32x16xf32> to vector<1xf32>
    %reduce_sum3A_34 = vector.shape_cast %reduce_sum3A_33 : vector<1xf32> to vector<1x1x1xf32>
    %reduce_sum3A_35 = vector.extract %reduce_sum3A_34[0, 0, 0] : f32 from vector<1x1x1xf32>
    %slice3A_36 = vector.extract_strided_slice %get3A_1 {offsets = [0, 336], sizes = [32, 16], strides = [1, 1]} : vector<32x480xf32> to vector<32x16xf32>
    %reduce_sum3A_37 = vector.shape_cast %slice3A_36 : vector<32x16xf32> to vector<1x32x16xf32>
    %reduce_sum3A_38 = arith.constant dense<0.000000e+00> : vector<1xf32>
    %reduce_sum3A_39 = vector.multi_reduction <add>, %reduce_sum3A_37, %reduce_sum3A_38 [1, 2] : vector<1x32x16xf32> to vector<1xf32>
    %reduce_sum3A_40 = vector.shape_cast %reduce_sum3A_39 : vector<1xf32> to vector<1x1x1xf32>
    %reduce_sum3A_41 = vector.extract %reduce_sum3A_40[0, 0, 0] : f32 from vector<1x1x1xf32>
    %max3A_42 = arith.constant 1.000000e+00 : f32
    %max3A_43 = arith.maximumf %reduce_sum3A_29, %max3A_42 : f32
    %gt3A_44 = arith.constant 0.000000e+00 : f32
    %gt3A_45 = arith.cmpf ogt, %reduce_sum3A_29, %gt3A_44 : f32
    %div3A_46 = arith.divf %reduce_sum3A_35, %max3A_43 : f32
    %div3A_47 = arith.divf %reduce_sum3A_41, %max3A_43 : f32
    %sub3A_48 = arith.subf %div3A_46, %div3A_47 : f32
    %abs3A_49 = math.absf %sub3A_48 : f32
    %mul3A_50 = arith.constant 9.53674316E-7 : f32
    %mul3A_51 = arith.mulf %reduce_sum3A_29, %mul3A_50 : f32
    %mul3A_52 = arith.mulf %abs3A_49, %mul3A_51 : f32
    %jit3A_53 = arith.constant 0.000000e+00 : f32
    %select_n3A_54 = arith.select %gt3A_45, %mul3A_52, %jit3A_53 : f32
    %add3A_55 = arith.addf %add3A_23, %select_n3A_54 : f32
    %slice3A_56 = vector.extract_strided_slice %get3A_1 {offsets = [0, 32], sizes = [32, 16], strides = [1, 1]} : vector<32x480xf32> to vector<32x16xf32>
    %reduce_sum3A_57 = vector.shape_cast %slice3A_56 : vector<32x16xf32> to vector<1x32x16xf32>
    %reduce_sum3A_58 = arith.constant dense<0.000000e+00> : vector<1xf32>
    %reduce_sum3A_59 = vector.multi_reduction <add>, %reduce_sum3A_57, %reduce_sum3A_58 [1, 2] : vector<1x32x16xf32> to vector<1xf32>
    %reduce_sum3A_60 = vector.shape_cast %reduce_sum3A_59 : vector<1xf32> to vector<1x1x1xf32>
    %reduce_sum3A_61 = vector.extract %reduce_sum3A_60[0, 0, 0] : f32 from vector<1x1x1xf32>
    %slice3A_62 = vector.extract_strided_slice %get3A_1 {offsets = [0, 192], sizes = [32, 16], strides = [1, 1]} : vector<32x480xf32> to vector<32x16xf32>
    %reduce_sum3A_63 = vector.shape_cast %slice3A_62 : vector<32x16xf32> to vector<1x32x16xf32>
    %reduce_sum3A_64 = arith.constant dense<0.000000e+00> : vector<1xf32>
    %reduce_sum3A_65 = vector.multi_reduction <add>, %reduce_sum3A_63, %reduce_sum3A_64 [1, 2] : vector<1x32x16xf32> to vector<1xf32>
    %reduce_sum3A_66 = vector.shape_cast %reduce_sum3A_65 : vector<1xf32> to vector<1x1x1xf32>
    %reduce_sum3A_67 = vector.extract %reduce_sum3A_66[0, 0, 0] : f32 from vector<1x1x1xf32>
    %slice3A_68 = vector.extract_strided_slice %get3A_1 {offsets = [0, 352], sizes = [32, 16], strides = [1, 1]} : vector<32x480xf32> to vector<32x16xf32>
    %reduce_sum3A_69 = vector.shape_cast %slice3A_68 : vector<32x16xf32> to vector<1x32x16xf32>
    %reduce_sum3A_70 = arith.constant dense<0.000000e+00> : vector<1xf32>
    %reduce_sum3A_71 = vector.multi_reduction <add>, %reduce_sum3A_69, %reduce_sum3A_70 [1, 2] : vector<1x32x16xf32> to vector<1xf32>
    %reduce_sum3A_72 = vector.shape_cast %reduce_sum3A_71 : vector<1xf32> to vector<1x1x1xf32>
    %reduce_sum3A_73 = vector.extract %reduce_sum3A_72[0, 0, 0] : f32 from vector<1x1x1xf32>
    %max3A_74 = arith.constant 1.000000e+00 : f32
    %max3A_75 = arith.maximumf %reduce_sum3A_61, %max3A_74 : f32
    %gt3A_76 = arith.constant 0.000000e+00 : f32
    %gt3A_77 = arith.cmpf ogt, %reduce_sum3A_61, %gt3A_76 : f32
    %div3A_78 = arith.divf %reduce_sum3A_67, %max3A_75 : f32
    %div3A_79 = arith.divf %reduce_sum3A_73, %max3A_75 : f32
    %sub3A_80 = arith.subf %div3A_78, %div3A_79 : f32
    %abs3A_81 = math.absf %sub3A_80 : f32
    %mul3A_82 = arith.constant 9.53674316E-7 : f32
    %mul3A_83 = arith.mulf %reduce_sum3A_61, %mul3A_82 : f32
    %mul3A_84 = arith.mulf %abs3A_81, %mul3A_83 : f32
    %jit3A_85 = arith.constant 0.000000e+00 : f32
    %select_n3A_86 = arith.select %gt3A_77, %mul3A_84, %jit3A_85 : f32
    %add3A_87 = arith.addf %add3A_55, %select_n3A_86 : f32
    %slice3A_88 = vector.extract_strided_slice %get3A_1 {offsets = [0, 48], sizes = [32, 16], strides = [1, 1]} : vector<32x480xf32> to vector<32x16xf32>
    %reduce_sum3A_89 = vector.shape_cast %slice3A_88 : vector<32x16xf32> to vector<1x32x16xf32>
    %reduce_sum3A_90 = arith.constant dense<0.000000e+00> : vector<1xf32>
    %reduce_sum3A_91 = vector.multi_reduction <add>, %reduce_sum3A_89, %reduce_sum3A_90 [1, 2] : vector<1x32x16xf32> to vector<1xf32>
    %reduce_sum3A_92 = vector.shape_cast %reduce_sum3A_91 : vector<1xf32> to vector<1x1x1xf32>
    %reduce_sum3A_93 = vector.extract %reduce_sum3A_92[0, 0, 0] : f32 from vector<1x1x1xf32>
    %slice3A_94 = vector.extract_strided_slice %get3A_1 {offsets = [0, 208], sizes = [32, 16], strides = [1, 1]} : vector<32x480xf32> to vector<32x16xf32>
    %reduce_sum3A_95 = vector.shape_cast %slice3A_94 : vector<32x16xf32> to vector<1x32x16xf32>
    %reduce_sum3A_96 = arith.constant dense<0.000000e+00> : vector<1xf32>
    %reduce_sum3A_97 = vector.multi_reduction <add>, %reduce_sum3A_95, %reduce_sum3A_96 [1, 2] : vector<1x32x16xf32> to vector<1xf32>
    %reduce_sum3A_98 = vector.shape_cast %reduce_sum3A_97 : vector<1xf32> to vector<1x1x1xf32>
    %reduce_sum3A_99 = vector.extract %reduce_sum3A_98[0, 0, 0] : f32 from vector<1x1x1xf32>
    %slice3A_100 = vector.extract_strided_slice %get3A_1 {offsets = [0, 368], sizes = [32, 16], strides = [1, 1]} : vector<32x480xf32> to vector<32x16xf32>
    %reduce_sum3A_101 = vector.shape_cast %slice3A_100 : vector<32x16xf32> to vector<1x32x16xf32>
    %reduce_sum3A_102 = arith.constant dense<0.000000e+00> : vector<1xf32>
    %reduce_sum3A_103 = vector.multi_reduction <add>, %reduce_sum3A_101, %reduce_sum3A_102 [1, 2] : vector<1x32x16xf32> to vector<1xf32>
    %reduce_sum3A_104 = vector.shape_cast %reduce_sum3A_103 : vector<1xf32> to vector<1x1x1xf32>
    %reduce_sum3A_105 = vector.extract %reduce_sum3A_104[0, 0, 0] : f32 from vector<1x1x1xf32>
    %max3A_106 = arith.constant 1.000000e+00 : f32
    %max3A_107 = arith.maximumf %reduce_sum3A_93, %max3A_106 : f32
    %gt3A_108 = arith.constant 0.000000e+00 : f32
    %gt3A_109 = arith.cmpf ogt, %reduce_sum3A_93, %gt3A_108 : f32
    %div3A_110 = arith.divf %reduce_sum3A_99, %max3A_107 : f32
    %div3A_111 = arith.divf %reduce_sum3A_105, %max3A_107 : f32
    %sub3A_112 = arith.subf %div3A_110, %div3A_111 : f32
    %abs3A_113 = math.absf %sub3A_112 : f32
    %mul3A_114 = arith.constant 9.53674316E-7 : f32
    %mul3A_115 = arith.mulf %reduce_sum3A_93, %mul3A_114 : f32
    %mul3A_116 = arith.mulf %abs3A_113, %mul3A_115 : f32
    %jit3A_117 = arith.constant 0.000000e+00 : f32
    %select_n3A_118 = arith.select %gt3A_109, %mul3A_116, %jit3A_117 : f32
    %add3A_119 = arith.addf %add3A_87, %select_n3A_118 : f32
    %slice3A_120 = vector.extract_strided_slice %get3A_1 {offsets = [0, 64], sizes = [32, 16], strides = [1, 1]} : vector<32x480xf32> to vector<32x16xf32>
    %reduce_sum3A_121 = vector.shape_cast %slice3A_120 : vector<32x16xf32> to vector<1x32x16xf32>
    %reduce_sum3A_122 = arith.constant dense<0.000000e+00> : vector<1xf32>
    %reduce_sum3A_123 = vector.multi_reduction <add>, %reduce_sum3A_121, %reduce_sum3A_122 [1, 2] : vector<1x32x16xf32> to vector<1xf32>
    %reduce_sum3A_124 = vector.shape_cast %reduce_sum3A_123 : vector<1xf32> to vector<1x1x1xf32>
    %reduce_sum3A_125 = vector.extract %reduce_sum3A_124[0, 0, 0] : f32 from vector<1x1x1xf32>
    %slice3A_126 = vector.extract_strided_slice %get3A_1 {offsets = [0, 224], sizes = [32, 16], strides = [1, 1]} : vector<32x480xf32> to vector<32x16xf32>
    %reduce_sum3A_127 = vector.shape_cast %slice3A_126 : vector<32x16xf32> to vector<1x32x16xf32>
    %reduce_sum3A_128 = arith.constant dense<0.000000e+00> : vector<1xf32>
    %reduce_sum3A_129 = vector.multi_reduction <add>, %reduce_sum3A_127, %reduce_sum3A_128 [1, 2] : vector<1x32x16xf32> to vector<1xf32>
    %reduce_sum3A_130 = vector.shape_cast %reduce_sum3A_129 : vector<1xf32> to vector<1x1x1xf32>
    %reduce_sum3A_131 = vector.extract %reduce_sum3A_130[0, 0, 0] : f32 from vector<1x1x1xf32>
    %slice3A_132 = vector.extract_strided_slice %get3A_1 {offsets = [0, 384], sizes = [32, 16], strides = [1, 1]} : vector<32x480xf32> to vector<32x16xf32>
    %reduce_sum3A_133 = vector.shape_cast %slice3A_132 : vector<32x16xf32> to vector<1x32x16xf32>
    %reduce_sum3A_134 = arith.constant dense<0.000000e+00> : vector<1xf32>
    %reduce_sum3A_135 = vector.multi_reduction <add>, %reduce_sum3A_133, %reduce_sum3A_134 [1, 2] : vector<1x32x16xf32> to vector<1xf32>
    %reduce_sum3A_136 = vector.shape_cast %reduce_sum3A_135 : vector<1xf32> to vector<1x1x1xf32>
    %reduce_sum3A_137 = vector.extract %reduce_sum3A_136[0, 0, 0] : f32 from vector<1x1x1xf32>
    %max3A_138 = arith.constant 1.000000e+00 : f32
    %max3A_139 = arith.maximumf %reduce_sum3A_125, %max3A_138 : f32
    %gt3A_140 = arith.constant 0.000000e+00 : f32
    %gt3A_141 = arith.cmpf ogt, %reduce_sum3A_125, %gt3A_140 : f32
    %div3A_142 = arith.divf %reduce_sum3A_131, %max3A_139 : f32
    %div3A_143 = arith.divf %reduce_sum3A_137, %max3A_139 : f32
    %sub3A_144 = arith.subf %div3A_142, %div3A_143 : f32
    %abs3A_145 = math.absf %sub3A_144 : f32
    %mul3A_146 = arith.constant 9.53674316E-7 : f32
    %mul3A_147 = arith.mulf %reduce_sum3A_125, %mul3A_146 : f32
    %mul3A_148 = arith.mulf %abs3A_145, %mul3A_147 : f32
    %jit3A_149 = arith.constant 0.000000e+00 : f32
    %select_n3A_150 = arith.select %gt3A_141, %mul3A_148, %jit3A_149 : f32
    %add3A_151 = arith.addf %add3A_119, %select_n3A_150 : f32
    %slice3A_152 = vector.extract_strided_slice %get3A_1 {offsets = [0, 80], sizes = [32, 16], strides = [1, 1]} : vector<32x480xf32> to vector<32x16xf32>
    %reduce_sum3A_153 = vector.shape_cast %slice3A_152 : vector<32x16xf32> to vector<1x32x16xf32>
    %reduce_sum3A_154 = arith.constant dense<0.000000e+00> : vector<1xf32>
    %reduce_sum3A_155 = vector.multi_reduction <add>, %reduce_sum3A_153, %reduce_sum3A_154 [1, 2] : vector<1x32x16xf32> to vector<1xf32>
    %reduce_sum3A_156 = vector.shape_cast %reduce_sum3A_155 : vector<1xf32> to vector<1x1x1xf32>
    %reduce_sum3A_157 = vector.extract %reduce_sum3A_156[0, 0, 0] : f32 from vector<1x1x1xf32>
    %slice3A_158 = vector.extract_strided_slice %get3A_1 {offsets = [0, 240], sizes = [32, 16], strides = [1, 1]} : vector<32x480xf32> to vector<32x16xf32>
    %reduce_sum3A_159 = vector.shape_cast %slice3A_158 : vector<32x16xf32> to vector<1x32x16xf32>
    %reduce_sum3A_160 = arith.constant dense<0.000000e+00> : vector<1xf32>
    %reduce_sum3A_161 = vector.multi_reduction <add>, %reduce_sum3A_159, %reduce_sum3A_160 [1, 2] : vector<1x32x16xf32> to vector<1xf32>
    %reduce_sum3A_162 = vector.shape_cast %reduce_sum3A_161 : vector<1xf32> to vector<1x1x1xf32>
    %reduce_sum3A_163 = vector.extract %reduce_sum3A_162[0, 0, 0] : f32 from vector<1x1x1xf32>
    %slice3A_164 = vector.extract_strided_slice %get3A_1 {offsets = [0, 400], sizes = [32, 16], strides = [1, 1]} : vector<32x480xf32> to vector<32x16xf32>
    %reduce_sum3A_165 = vector.shape_cast %slice3A_164 : vector<32x16xf32> to vector<1x32x16xf32>
    %reduce_sum3A_166 = arith.constant dense<0.000000e+00> : vector<1xf32>
    %reduce_sum3A_167 = vector.multi_reduction <add>, %reduce_sum3A_165, %reduce_sum3A_166 [1, 2] : vector<1x32x16xf32> to vector<1xf32>
    %reduce_sum3A_168 = vector.shape_cast %reduce_sum3A_167 : vector<1xf32> to vector<1x1x1xf32>
    %reduce_sum3A_169 = vector.extract %reduce_sum3A_168[0, 0, 0] : f32 from vector<1x1x1xf32>
    %max3A_170 = arith.constant 1.000000e+00 : f32
    %max3A_171 = arith.maximumf %reduce_sum3A_157, %max3A_170 : f32
    %gt3A_172 = arith.constant 0.000000e+00 : f32
    %gt3A_173 = arith.cmpf ogt, %reduce_sum3A_157, %gt3A_172 : f32
    %div3A_174 = arith.divf %reduce_sum3A_163, %max3A_171 : f32
    %div3A_175 = arith.divf %reduce_sum3A_169, %max3A_171 : f32
    %sub3A_176 = arith.subf %div3A_174, %div3A_175 : f32
    %abs3A_177 = math.absf %sub3A_176 : f32
    %mul3A_178 = arith.constant 9.53674316E-7 : f32
    %mul3A_179 = arith.mulf %reduce_sum3A_157, %mul3A_178 : f32
    %mul3A_180 = arith.mulf %abs3A_177, %mul3A_179 : f32
    %jit3A_181 = arith.constant 0.000000e+00 : f32
    %select_n3A_182 = arith.select %gt3A_173, %mul3A_180, %jit3A_181 : f32
    %add3A_183 = arith.addf %add3A_151, %select_n3A_182 : f32
    %slice3A_184 = vector.extract_strided_slice %get3A_1 {offsets = [0, 96], sizes = [32, 16], strides = [1, 1]} : vector<32x480xf32> to vector<32x16xf32>
    %reduce_sum3A_185 = vector.shape_cast %slice3A_184 : vector<32x16xf32> to vector<1x32x16xf32>
    %reduce_sum3A_186 = arith.constant dense<0.000000e+00> : vector<1xf32>
    %reduce_sum3A_187 = vector.multi_reduction <add>, %reduce_sum3A_185, %reduce_sum3A_186 [1, 2] : vector<1x32x16xf32> to vector<1xf32>
    %reduce_sum3A_188 = vector.shape_cast %reduce_sum3A_187 : vector<1xf32> to vector<1x1x1xf32>
    %reduce_sum3A_189 = vector.extract %reduce_sum3A_188[0, 0, 0] : f32 from vector<1x1x1xf32>
    %slice3A_190 = vector.extract_strided_slice %get3A_1 {offsets = [0, 256], sizes = [32, 16], strides = [1, 1]} : vector<32x480xf32> to vector<32x16xf32>
    %reduce_sum3A_191 = vector.shape_cast %slice3A_190 : vector<32x16xf32> to vector<1x32x16xf32>
    %reduce_sum3A_192 = arith.constant dense<0.000000e+00> : vector<1xf32>
    %reduce_sum3A_193 = vector.multi_reduction <add>, %reduce_sum3A_191, %reduce_sum3A_192 [1, 2] : vector<1x32x16xf32> to vector<1xf32>
    %reduce_sum3A_194 = vector.shape_cast %reduce_sum3A_193 : vector<1xf32> to vector<1x1x1xf32>
    %reduce_sum3A_195 = vector.extract %reduce_sum3A_194[0, 0, 0] : f32 from vector<1x1x1xf32>
    %slice3A_196 = vector.extract_strided_slice %get3A_1 {offsets = [0, 416], sizes = [32, 16], strides = [1, 1]} : vector<32x480xf32> to vector<32x16xf32>
    %reduce_sum3A_197 = vector.shape_cast %slice3A_196 : vector<32x16xf32> to vector<1x32x16xf32>
    %reduce_sum3A_198 = arith.constant dense<0.000000e+00> : vector<1xf32>
    %reduce_sum3A_199 = vector.multi_reduction <add>, %reduce_sum3A_197, %reduce_sum3A_198 [1, 2] : vector<1x32x16xf32> to vector<1xf32>
    %reduce_sum3A_200 = vector.shape_cast %reduce_sum3A_199 : vector<1xf32> to vector<1x1x1xf32>
    %reduce_sum3A_201 = vector.extract %reduce_sum3A_200[0, 0, 0] : f32 from vector<1x1x1xf32>
    %max3A_202 = arith.constant 1.000000e+00 : f32
    %max3A_203 = arith.maximumf %reduce_sum3A_189, %max3A_202 : f32
    %gt3A_204 = arith.constant 0.000000e+00 : f32
    %gt3A_205 = arith.cmpf ogt, %reduce_sum3A_189, %gt3A_204 : f32
    %div3A_206 = arith.divf %reduce_sum3A_195, %max3A_203 : f32
    %div3A_207 = arith.divf %reduce_sum3A_201, %max3A_203 : f32
    %sub3A_208 = arith.subf %div3A_206, %div3A_207 : f32
    %abs3A_209 = math.absf %sub3A_208 : f32
    %mul3A_210 = arith.constant 9.53674316E-7 : f32
    %mul3A_211 = arith.mulf %reduce_sum3A_189, %mul3A_210 : f32
    %mul3A_212 = arith.mulf %abs3A_209, %mul3A_211 : f32
    %jit3A_213 = arith.constant 0.000000e+00 : f32
    %select_n3A_214 = arith.select %gt3A_205, %mul3A_212, %jit3A_213 : f32
    %add3A_215 = arith.addf %add3A_183, %select_n3A_214 : f32
    %slice3A_216 = vector.extract_strided_slice %get3A_1 {offsets = [0, 112], sizes = [32, 16], strides = [1, 1]} : vector<32x480xf32> to vector<32x16xf32>
    %reduce_sum3A_217 = vector.shape_cast %slice3A_216 : vector<32x16xf32> to vector<1x32x16xf32>
    %reduce_sum3A_218 = arith.constant dense<0.000000e+00> : vector<1xf32>
    %reduce_sum3A_219 = vector.multi_reduction <add>, %reduce_sum3A_217, %reduce_sum3A_218 [1, 2] : vector<1x32x16xf32> to vector<1xf32>
    %reduce_sum3A_220 = vector.shape_cast %reduce_sum3A_219 : vector<1xf32> to vector<1x1x1xf32>
    %reduce_sum3A_221 = vector.extract %reduce_sum3A_220[0, 0, 0] : f32 from vector<1x1x1xf32>
    %slice3A_222 = vector.extract_strided_slice %get3A_1 {offsets = [0, 272], sizes = [32, 16], strides = [1, 1]} : vector<32x480xf32> to vector<32x16xf32>
    %reduce_sum3A_223 = vector.shape_cast %slice3A_222 : vector<32x16xf32> to vector<1x32x16xf32>
    %reduce_sum3A_224 = arith.constant dense<0.000000e+00> : vector<1xf32>
    %reduce_sum3A_225 = vector.multi_reduction <add>, %reduce_sum3A_223, %reduce_sum3A_224 [1, 2] : vector<1x32x16xf32> to vector<1xf32>
    %reduce_sum3A_226 = vector.shape_cast %reduce_sum3A_225 : vector<1xf32> to vector<1x1x1xf32>
    %reduce_sum3A_227 = vector.extract %reduce_sum3A_226[0, 0, 0] : f32 from vector<1x1x1xf32>
    %slice3A_228 = vector.extract_strided_slice %get3A_1 {offsets = [0, 432], sizes = [32, 16], strides = [1, 1]} : vector<32x480xf32> to vector<32x16xf32>
    %reduce_sum3A_229 = vector.shape_cast %slice3A_228 : vector<32x16xf32> to vector<1x32x16xf32>
    %reduce_sum3A_230 = arith.constant dense<0.000000e+00> : vector<1xf32>
    %reduce_sum3A_231 = vector.multi_reduction <add>, %reduce_sum3A_229, %reduce_sum3A_230 [1, 2] : vector<1x32x16xf32> to vector<1xf32>
    %reduce_sum3A_232 = vector.shape_cast %reduce_sum3A_231 : vector<1xf32> to vector<1x1x1xf32>
    %reduce_sum3A_233 = vector.extract %reduce_sum3A_232[0, 0, 0] : f32 from vector<1x1x1xf32>
    %max3A_234 = arith.constant 1.000000e+00 : f32
    %max3A_235 = arith.maximumf %reduce_sum3A_221, %max3A_234 : f32
    %gt3A_236 = arith.constant 0.000000e+00 : f32
    %gt3A_237 = arith.cmpf ogt, %reduce_sum3A_221, %gt3A_236 : f32
    %div3A_238 = arith.divf %reduce_sum3A_227, %max3A_235 : f32
    %div3A_239 = arith.divf %reduce_sum3A_233, %max3A_235 : f32
    %sub3A_240 = arith.subf %div3A_238, %div3A_239 : f32
    %abs3A_241 = math.absf %sub3A_240 : f32
    %mul3A_242 = arith.constant 9.53674316E-7 : f32
    %mul3A_243 = arith.mulf %reduce_sum3A_221, %mul3A_242 : f32
    %mul3A_244 = arith.mulf %abs3A_241, %mul3A_243 : f32
    %jit3A_245 = arith.constant 0.000000e+00 : f32
    %select_n3A_246 = arith.select %gt3A_237, %mul3A_244, %jit3A_245 : f32
    %add3A_247 = arith.addf %add3A_215, %select_n3A_246 : f32
    %slice3A_248 = vector.extract_strided_slice %get3A_1 {offsets = [0, 128], sizes = [32, 16], strides = [1, 1]} : vector<32x480xf32> to vector<32x16xf32>
    %reduce_sum3A_249 = vector.shape_cast %slice3A_248 : vector<32x16xf32> to vector<1x32x16xf32>
    %reduce_sum3A_250 = arith.constant dense<0.000000e+00> : vector<1xf32>
    %reduce_sum3A_251 = vector.multi_reduction <add>, %reduce_sum3A_249, %reduce_sum3A_250 [1, 2] : vector<1x32x16xf32> to vector<1xf32>
    %reduce_sum3A_252 = vector.shape_cast %reduce_sum3A_251 : vector<1xf32> to vector<1x1x1xf32>
    %reduce_sum3A_253 = vector.extract %reduce_sum3A_252[0, 0, 0] : f32 from vector<1x1x1xf32>
    %slice3A_254 = vector.extract_strided_slice %get3A_1 {offsets = [0, 288], sizes = [32, 16], strides = [1, 1]} : vector<32x480xf32> to vector<32x16xf32>
    %reduce_sum3A_255 = vector.shape_cast %slice3A_254 : vector<32x16xf32> to vector<1x32x16xf32>
    %reduce_sum3A_256 = arith.constant dense<0.000000e+00> : vector<1xf32>
    %reduce_sum3A_257 = vector.multi_reduction <add>, %reduce_sum3A_255, %reduce_sum3A_256 [1, 2] : vector<1x32x16xf32> to vector<1xf32>
    %reduce_sum3A_258 = vector.shape_cast %reduce_sum3A_257 : vector<1xf32> to vector<1x1x1xf32>
    %reduce_sum3A_259 = vector.extract %reduce_sum3A_258[0, 0, 0] : f32 from vector<1x1x1xf32>
    %slice3A_260 = vector.extract_strided_slice %get3A_1 {offsets = [0, 448], sizes = [32, 16], strides = [1, 1]} : vector<32x480xf32> to vector<32x16xf32>
    %reduce_sum3A_261 = vector.shape_cast %slice3A_260 : vector<32x16xf32> to vector<1x32x16xf32>
    %reduce_sum3A_262 = arith.constant dense<0.000000e+00> : vector<1xf32>
    %reduce_sum3A_263 = vector.multi_reduction <add>, %reduce_sum3A_261, %reduce_sum3A_262 [1, 2] : vector<1x32x16xf32> to vector<1xf32>
    %reduce_sum3A_264 = vector.shape_cast %reduce_sum3A_263 : vector<1xf32> to vector<1x1x1xf32>
    %reduce_sum3A_265 = vector.extract %reduce_sum3A_264[0, 0, 0] : f32 from vector<1x1x1xf32>
    %max3A_266 = arith.constant 1.000000e+00 : f32
    %max3A_267 = arith.maximumf %reduce_sum3A_253, %max3A_266 : f32
    %gt3A_268 = arith.constant 0.000000e+00 : f32
    %gt3A_269 = arith.cmpf ogt, %reduce_sum3A_253, %gt3A_268 : f32
    %div3A_270 = arith.divf %reduce_sum3A_259, %max3A_267 : f32
    %div3A_271 = arith.divf %reduce_sum3A_265, %max3A_267 : f32
    %sub3A_272 = arith.subf %div3A_270, %div3A_271 : f32
    %abs3A_273 = math.absf %sub3A_272 : f32
    %mul3A_274 = arith.constant 9.53674316E-7 : f32
    %mul3A_275 = arith.mulf %reduce_sum3A_253, %mul3A_274 : f32
    %mul3A_276 = arith.mulf %abs3A_273, %mul3A_275 : f32
    %jit3A_277 = arith.constant 0.000000e+00 : f32
    %select_n3A_278 = arith.select %gt3A_269, %mul3A_276, %jit3A_277 : f32
    %add3A_279 = arith.addf %add3A_247, %select_n3A_278 : f32
    %slice3A_280 = vector.extract_strided_slice %get3A_1 {offsets = [0, 144], sizes = [32, 16], strides = [1, 1]} : vector<32x480xf32> to vector<32x16xf32>
    %reduce_sum3A_281 = vector.shape_cast %slice3A_280 : vector<32x16xf32> to vector<1x32x16xf32>
    %reduce_sum3A_282 = arith.constant dense<0.000000e+00> : vector<1xf32>
    %reduce_sum3A_283 = vector.multi_reduction <add>, %reduce_sum3A_281, %reduce_sum3A_282 [1, 2] : vector<1x32x16xf32> to vector<1xf32>
    %reduce_sum3A_284 = vector.shape_cast %reduce_sum3A_283 : vector<1xf32> to vector<1x1x1xf32>
    %reduce_sum3A_285 = vector.extract %reduce_sum3A_284[0, 0, 0] : f32 from vector<1x1x1xf32>
    %slice3A_286 = vector.extract_strided_slice %get3A_1 {offsets = [0, 304], sizes = [32, 16], strides = [1, 1]} : vector<32x480xf32> to vector<32x16xf32>
    %reduce_sum3A_287 = vector.shape_cast %slice3A_286 : vector<32x16xf32> to vector<1x32x16xf32>
    %reduce_sum3A_288 = arith.constant dense<0.000000e+00> : vector<1xf32>
    %reduce_sum3A_289 = vector.multi_reduction <add>, %reduce_sum3A_287, %reduce_sum3A_288 [1, 2] : vector<1x32x16xf32> to vector<1xf32>
    %reduce_sum3A_290 = vector.shape_cast %reduce_sum3A_289 : vector<1xf32> to vector<1x1x1xf32>
    %reduce_sum3A_291 = vector.extract %reduce_sum3A_290[0, 0, 0] : f32 from vector<1x1x1xf32>
    %slice3A_292 = vector.extract_strided_slice %get3A_1 {offsets = [0, 464], sizes = [32, 16], strides = [1, 1]} : vector<32x480xf32> to vector<32x16xf32>
    %reduce_sum3A_293 = vector.shape_cast %slice3A_292 : vector<32x16xf32> to vector<1x32x16xf32>
    %reduce_sum3A_294 = arith.constant dense<0.000000e+00> : vector<1xf32>
    %reduce_sum3A_295 = vector.multi_reduction <add>, %reduce_sum3A_293, %reduce_sum3A_294 [1, 2] : vector<1x32x16xf32> to vector<1xf32>
    %reduce_sum3A_296 = vector.shape_cast %reduce_sum3A_295 : vector<1xf32> to vector<1x1x1xf32>
    %reduce_sum3A_297 = vector.extract %reduce_sum3A_296[0, 0, 0] : f32 from vector<1x1x1xf32>
    %max3A_298 = arith.constant 1.000000e+00 : f32
    %max3A_299 = arith.maximumf %reduce_sum3A_285, %max3A_298 : f32
    %gt3A_300 = arith.constant 0.000000e+00 : f32
    %gt3A_301 = arith.cmpf ogt, %reduce_sum3A_285, %gt3A_300 : f32
    %div3A_302 = arith.divf %reduce_sum3A_291, %max3A_299 : f32
    %div3A_303 = arith.divf %reduce_sum3A_297, %max3A_299 : f32
    %sub3A_304 = arith.subf %div3A_302, %div3A_303 : f32
    %abs3A_305 = math.absf %sub3A_304 : f32
    %mul3A_306 = arith.constant 9.53674316E-7 : f32
    %mul3A_307 = arith.mulf %reduce_sum3A_285, %mul3A_306 : f32
    %mul3A_308 = arith.mulf %abs3A_305, %mul3A_307 : f32
    %jit3A_309 = arith.constant 0.000000e+00 : f32
    %select_n3A_310 = arith.select %gt3A_301, %mul3A_308, %jit3A_309 : f32
    %add3A_311 = arith.addf %add3A_279, %select_n3A_310 : f32
    %reshape3A = vector.broadcast %add3A_311 : f32 to vector<1x1xf32>
    %swap3A = arith.constant 0 : index
    %swap3A_312 = arith.constant 0 : index
    %swap3A_313 = vector.load %arg1[%swap3A, %swap3A_312] : memref<1x1xf32, #tpu.memory_space<vmem>>, vector<1x1xf32>
    tpu.vector_store %arg1[%swap3A, %swap3A_312], %reshape3A {strides = array<i32>} : memref<1x1xf32, #tpu.memory_space<vmem>>, vector<1x1xf32>,
    return
  }
}

</mosaic_0001>

<sc_bundles>
// kernel: kernel.5.cloned.1.call-start
scs
__scs_entry_jumppad:
0x0: {  	(pc) =	sbr.rel $0x88, $3  }
0x1: {  	(tag) =	ssettag $0x0;
	lr =	simm.s32 $0x1  }
0x2: {  	[smem:$0x3F9F] =	sst lr;
	_ =	strace $0xD0000000  }
0x3: {  	_ = 	snop  }
0x4: {  	_ = 	snop  }
0x5: {  	_ = 	snop  }
0x6: {  	_ = 	snop  }
0x7: {  	_ = 	snop  }
__scs_overlays_trampoline_lowered:
0x8: {  	[smem:$0x3FAE] =	sst s0  }
0x9: {  	[smem:$0x3FAF] =	sst s1  }
0xa: {  	[smem:$0x3FB0] =	sst s2  }
0xb: {  	[smem:$0x3FB1] =	sst s3  }
0xc: {  	[smem:$0x3FB2] =	sst s4  }
0xd: {  	[smem:$0x3FB3] =	sst s5  }
0xe: {  	[smem:$0x3FB4] =	sst s6  }
0xf: {  	[smem:$0x3FB5] =	sst s7  }
0x10: {  	[smem:$0x3FB6] =	sst s8  }
0x11: {  	[smem:$0x3FB7] =	sst s9;
	s0 =	simm.s32 @!p0 $0x0  }
0x12: {  	s1 =	sld [smem:$0x3F9D];
	s0 =	simm.s32 @p0 $0x1  }
0x13: {  	[smem:$0x3FB8] =	sst s0;
	s0 =	simm.s32 @!p1 $0x0  }
0x14: {  	s2 =	sld [smem:$0x3F9C];
	s0 =	simm.s32 @p1 $0x1  }
0x15: {  	[smem:$0x3FB9] =	sst s0;
	s0 =	simm.s32 @!p2 $0x0  }
0x16: {  	s3 =	sld [smem:$0x3FDB];
	s0 =	simm.s32 @p2 $0x1  }
0x17: {  	s4 =	simm.s32 $0x1BF5;
	[smem:$0x3FBB] =	sst s0  }
0x18: {  	s0 =	sld [smem:$0x3F9E];
	_ =	swait.ge [sflag:s4], $0x0  }
0x19: {  	s7 =	sld [smem:$0x3F9F]  }
0x1a: {  	s8 =	sadd.s32 $0xFFFFE003, lr  }
0x1b: {  	s9 =	sadd.s32 $0xFFFFFEF7, lr;
	s5 =	simm.s32 $0xFFFFFFFF;
	p2 =	slt.u32 s8, $0xFFFFF086  }
0x1c: {  	p1 =	slt.u32 s9, $0xF7A;
	s5 =	simm.s32 @!p2 $0x0  }
0x1d: {  	s5 =	simm.s32 @p1 $0x1;
	p0 =	seq.s32 s7, s2  }
0x1e: {  	s7 =	smul.u32 @!p0 $0xF7A, s2;
	p2 =	seq.s32 @!p0 s5, $0x0  }
0x1f: {  	s9 =	smul.u32 $0xF7A, s1;
	s8 =	simm.s32 @!p0 $0x1BF5;
	p2 =	por !p2, p0  }
0x20: {  	[sflag:s8] =	ssyncset.s32 @!p0 $0xFFFFF086;
	s6 =	sadd.s32 @!p0 s3, s7;
	s7 =	simm.s32 @!p0 $0x108  }
0x21: {  	s3 =	sadd.s32 s3, s9;
	s6 =	sadd.s32 @!p0 $0x88, s6;
	s7 =	simm.s32 @p2 $0x1082  }
0x22: {  	[simem:s7], [sflag:s8] =	dma.local @!p0 [hbm:s6], $0xF7A  }
0x23: {  	s9 =	sor.u32 $0xD0000000, s2;
	s6 =	simm.s32 $0x108;
	_ =	swait.ge @!p0 [sflag:s8], $0x0  }
0x24: {  	s3 =	sadd.s32 $0x88, s3;
	s6 =	simm.s32 @!p1 $0x1082;
	[sflag:s4] =	ssyncset.s32 $0xFFFFF086  }
0x25: {  	[simem:s6], [sflag:s4] =	dma.local [hbm:s3], $0xF7A  }
0x26: {  	[smem:$0x3F9F] =	sst s1;
	(tag) =	ssettag s2;
	_ =	strace s9  }
0x27: {  	s1 =	sld [smem:$0x3FAF]  }
0x28: {  	s2 =	sld [smem:$0x3FB0]  }
0x29: {  	s4 =	sld [smem:$0x3FB2]  }
0x2a: {  	p0 =	seq.s32 s5, $0x0;
	s5 =	sld [smem:$0x3FB3]  }
0x2b: {  	s6 =	sld [smem:$0x3FB4]  }
0x2c: {  	s7 =	sld [smem:$0x3FB5]  }
0x2d: {  	s3 =	simm.s32 $0x108;
	s8 =	sld [smem:$0x3FB6]  }
0x2e: {  	s3 =	simm.s32 @!p0 $0x1082;
	s9 =	sld [smem:$0x3FB7]  }
0x2f: {  	lr =	sadd.s32 s0, s3;
	s0 =	sld [smem:$0x3FAE]  }
0x30: {  	s3 =	sld [smem:$0x3FB1]  }
0x31: {  	[smem:$0x3FBA] =	sst s10  }
0x32: {  	s10 =	sld [smem:$0x3FB8];
	_ =	sdelay $0x3  }
0x33: {  	p0 =	seq.s32 s10, $0x1;
	s10 =	sld [smem:$0x3FBA];
	_ =	sdelay $0x3  }
0x34: {  	[smem:$0x3FBA] =	sst s10  }
0x35: {  	s10 =	sld [smem:$0x3FB9];
	_ =	sdelay $0x3  }
0x36: {  	p1 =	seq.s32 s10, $0x1;
	s10 =	sld [smem:$0x3FBA];
	_ =	sdelay $0x3  }
0x37: {  	[smem:$0x3FBA] =	sst s10  }
0x38: {  	s10 =	sld [smem:$0x3FBB]  }
0x39: {  	_ = 	snop;
	(pc) =	sbr.ind lr, $3  }
0x3a: {  	_ = 	snop  }
0x3b: {  	_ = 	snop  }
0x3c: {  	p2 =	seq.s32 s10, $0x1;
	s10 =	sld [smem:$0x3FBA]  }
0x3d: {  	_ =	shalt  }
0x3e: {  	_ =	shalt  }
0x3f: {  	_ =	shalt  }
0x40: {  	_ =	shalt  }
0x41: {  	_ =	shalt  }
0x42: {  	_ =	shalt  }
0x43: {  	_ =	shalt  }
0x44: {  	_ =	shalt  }
0x45: {  	_ =	shalt  }
0x46: {  	_ =	shalt  }
0x47: {  	_ =	shalt  }
0x48: {  	_ =	shalt  }
0x49: {  	_ =	shalt  }
0x4a: {  	_ =	shalt  }
0x4b: {  	_ =	shalt  }
0x4c: {  	_ =	shalt  }
0x4d: {  	_ =	shalt  }
0x4e: {  	_ =	shalt  }
0x4f: {  	_ =	shalt  }
0x50: {  	_ =	shalt  }
0x51: {  	_ =	shalt  }
0x52: {  	_ =	shalt  }
0x53: {  	_ =	shalt  }
0x54: {  	_ =	shalt  }
0x55: {  	_ =	shalt  }
0x56: {  	_ =	shalt  }
0x57: {  	_ =	shalt  }
0x58: {  	_ =	shalt  }
0x59: {  	_ =	shalt  }
0x5a: {  	_ =	shalt  }
0x5b: {  	_ =	shalt  }
0x5c: {  	_ =	shalt  }
0x5d: {  	_ =	shalt  }
0x5e: {  	_ =	shalt  }
0x5f: {  	_ =	shalt  }
0x60: {  	_ =	shalt  }
0x61: {  	_ =	shalt  }
0x62: {  	_ =	shalt  }
0x63: {  	_ =	shalt  }
0x64: {  	_ =	shalt  }
0x65: {  	_ =	shalt  }
0x66: {  	_ =	shalt  }
0x67: {  	_ =	shalt  }
0x68: {  	_ =	shalt  }
0x69: {  	_ =	shalt  }
0x6a: {  	_ =	shalt  }
0x6b: {  	_ =	shalt  }
0x6c: {  	_ =	shalt  }
0x6d: {  	_ =	shalt  }
0x6e: {  	_ =	shalt  }
0x6f: {  	_ =	shalt  }
0x70: {  	_ =	shalt  }
0x71: {  	_ =	shalt  }
0x72: {  	_ =	shalt  }
0x73: {  	_ =	shalt  }
0x74: {  	_ =	shalt  }
0x75: {  	_ =	shalt  }
0x76: {  	_ =	shalt  }
0x77: {  	_ =	shalt  }
0x78: {  	_ =	shalt  }
0x79: {  	_ =	shalt  }
0x7a: {  	_ =	shalt  }
0x7b: {  	_ =	shalt  }
0x7c: {  	_ =	shalt  }
0x7d: {  	_ =	shalt  }
0x7e: {  	_ =	shalt  }
0x7f: {  	_ =	shalt  }
0x80: {  	_ =	shalt  }
0x81: {  	_ =	shalt  }
0x82: {  	_ =	shalt  }
0x83: {  	_ =	shalt  }
0x84: {  	_ =	shalt  }
0x85: {  	_ =	shalt  }
0x86: {  	_ =	shalt  }
0x87: {  	_ =	shalt  }
.Lfunc_end0:
.L_simem_size_0:
called_computation_lowered:
.L_overlay_start_0:
0x88: {  	s2 =	sld [smem:$0x3FD9]  }
0x89: {  	s3 =	sld [smem:$0x3FFE];
	_ =	sdelay $0x1  }
0x8a: {  	s1 =	srdreg.scid  }
0x8b: {  	s0 =	sand.u32 $0x1, s1  }
0x8c: {  	s17 =	sshll.u32 s0, $0xA;
	s2 =	sadd.s32 s3, s2  }
0x8d: {  	s2 =	sadd.s32 s2, s17  }
0x8e: {  	[smem:$0x3FC6] =	sst s2  }
0x8f: {  	_ = 	snop  }
0x90: {  	s2 =	sld [smem:$0x3FC8];
	(tm) =	ssettm $0x1  }
0x91: {  	s18 =	sld [smem:$0x3FFB];
	_ =	sdelay $0x3  }
0x92: {  	_ =	strace s18  }
0x93: {  	s3 =	sld [smem:$0x3FFC];
	_ =	sdelay $0x3  }
0x94: {  	_ =	strace s3  }
0x95: {  	s3 =	sld [smem:$0x3FFD];
	_ =	sdelay $0x3  }
0x96: {  	_ =	strace s3  }
0x97: {  	_ =	strace $0x8FFFFFFF  }
0x98: {  	s19 =	sld [smem:$0x3FDB];
	_ =	sdelay $0x1  }
0x99: {  	s4 =	simm.s32 $_scs_section_size  }
0x9a: {  	s5 =	simm.s32 $_size__tile_overlayer_lowered;
	s6 =	simm.s32 $_tile_overlayer_lowered  }
0x9b: {  	s22 =	simm.s32 $0x1BFF;
	s21 =	sshll.u32 s6, $0x1;
	s3 =	sadd.s32 s4, s19  }
0x9c: {  	s7 =	simm.s32 $0x0;
	s20 =	sshll.u32 s5, $0x1;
	s5 =	sadd.s32 s21, s3  }
0x9d: {  	[timem:s7], [sflag:s22] =	dma.local [hbm:s5], s20  }
0x9e: {  	_ =	swait.ge [sflag:s22], s20  }
0x9f: {  	s4 =	ssub.s32 $0x0, s20;
	[sflag:s22] =	ssyncset.done $0x0  }
0xa0: {  	[sflag:s22] =	ssyncadd.s32 s4;
	_ =	sdelay $0x1  }
0xa1: {  	s23 =	simm.s32 $0x1B8B  }
0xa2: {  	_ =	swait.ge [sflag:s23], $0x1  }
0xa3: {  	[sflag:s23] =	ssyncset.done $0x0  }
0xa4: {  	s25 =	simm.s32 $0x1B8E;
	s24 =	sld [smem:$0x3FFE];
	[sflag:s23] =	ssyncadd.s32 $0xFFFFFFFF  }
0xa5: {  	s26 =	simm.s32 $execute0_lowered;
	[smem:$0x3FD2] =	sst s25  }
0xa6: {  	s5 =	sshll.u32 s26, $0x1;
	_ =	strace $0x80000046;
	[dreg:$0x1] =	wrdreg $0xFFFFFFFF  }
0xa7: {  	s28 =	simm.s32 $_size_execute0_lowered;
	s3 =	sadd.s32 s3, s5;
	[dreg:$0x0] =	wrdreg $0x0  }
0xa8: {  	s5 =	sshll.u32 s28, $0x1;
	[dreg:$0x2] =	wrdreg s3  }
0xa9: {  	[dreg:$0x3] =	wrdreg s5  }
0xaa: {  	[dreg:$0x4] =	wrdreg $0xC0  }
0xab: {  	_ =	task [dreg:s7], $0x5FFFF  }
0xac: {  	[dreg:$0x1] =	wrdreg $0xFFFFFFFF  }
0xad: {  	[dreg:$0x0] =	wrdreg $0x60  }
0xae: {  	[dreg:$0x2] =	wrdreg s24  }
0xaf: {  	[dreg:$0x3] =	wrdreg s2  }
0xb0: {  	[dreg:$0x4] =	wrdreg $0x9  }
0xb1: {  	_ =	task.clear_ibuf [dreg:s7], $0x5FFFF;
	_ =	strace $0x90000046  }
0xb2: {  	s29 =	simm.s32 $0x9;
	_ =	strace $0x80000048  }
0xb3: {  	_ =	swait.ge [sflag:s29], $0x1  }
0xb4: {  	[sflag:s29] =	ssyncadd.s32 $0xFFFFFFFF  }
0xb5: {  	_ =	strace $0x90000048  }
0xb6: {  	_ =	sfence  }
0xb7: {  	s30 =	sld [smem:$0x0];
	_ =	sdelay $0x2  }
0xb8: {  	s31 =	sshll.u32 s1, $0xD;
	s1 =	sshrl.u32 s1, $0x2  }
0xb9: {  	s3 =	sand.u32 $0x4000, s31;
	s1 =	sadd.s32 s1, s30  }
0xba: {  	s0 =	sor.u32 s3, s0;
	s1 =	sshll.u32 s1, $0x11  }
0xbb: {  	s0 =	sor.u32 s1, s0  }
0xbc: {  	s0 =	sadd.s32 $0x8F2B, s0  }
0xbd: {  	[sflag:s0] =	ssyncadd.remote.s32 $0x1  }
0xbe: {  	_ =	sfence.sel $0xFFFF  }
0xbf: {  	[dreg:$0x0] =	wrdreg $0xFFFFFFFF;
	(pc) =	sbr.abs _section_cstart, $3  }
0xc0: {  	[dreg:$0x1] =	wrdreg $0xFFFFFFFF  }
0xc1: {  	_ =	task.clear_ibuf [dreg:s7], $0x2FFFF;
	_ =	strace $0x9FFFFFFF  }
0xc2: {  	(tm) =	ssettm $0x7FFFFFFF  }
0xc3: {  	_ =	shalt  }
tec
execute0_lowered:
.L_overlay_start_1:
0x0: {  	(tag) =	ssettag $0x1  }
0x1: {  	s3 =	rddreg [dreg:$0x0];
	s1 =	srdreg.scid  }
0x2: {  	s0 =	stileid.u32;
	s4 =	rddreg [dreg:$0x1];
	s2 =	simm.s32 $0x0  }
0x3: {  	s11 =	simm.s32 $0x400;
	s5 =	sand.u32 $0x1, s1;
	s1 =	rddreg [dreg:$0x2]  }
0x4: {  	s12 =	simm.s32 $0x0;
	s6 =	sshll.u32 s0, $0x1;
	[smem:$0x7FF] =	sst s2  }
0x5: {  	s9 =	sshll.u32 s0, $0x7;
	s6 =	sor.u32 s5, s6;
	_ =	strace $0x80000047  }
0x6: {  	s9 =	sand.u32 $0x600, s9;
	s5 =	ssub.s32 $0x2, s5;
	s7 =	sshll.u32 s6, $0xC  }
0x7: {  	s6 =	sshll.u32 s6, $0x4;
	s9 =	sadd.s32 s9, s3;
	s30 =	sshrl.u32 s5, $0x1  }
0x8: {  	s8 =	sadd.s32 s7, s3;
	s6 =	sand.u32 $0x70, s6;
	s10 =	ssub.s32 s5, s30  }
0x9: {  	s4 =	sadd.s32 s4, s7;
	s7 =	simm.s32 $0x1;
	s3 =	sadd.s32 $0x800, s8  }
0xa: {  	v9 =	vimm.f32 $0.0e+00;
	v63 =	vlaneseq.u32;
	s31 =	sadd.s32 s6, s9;
	s6 =	smax.u32 s10, $0x1;
	s8 =	simm.s32 $0x8000  }
0xb: {  	v46 =	vimm.s32 $0x0;
	v4 =	vor.u32 $0xA0, v63;
	v5 =	vor.u32 $0x140, v63;
	s9 =	simm.s32 $0x10000;
	s10 =	simm.s32 $0x80;
	s5 =	sadd.s32 $0x20800, s31  }
.LBB2_1:
0xc: {  	[tilespmem:$0x10000] =	vst v9  }
0xd: {  	[tilespmem:$0x10010] =	vst v9  }
0xe: {  	[tilespmem:$0x10020] =	vst v9  }
0xf: {  	[tilespmem:$0x10030] =	vst v9  }
0x10: {  	[tilespmem:$0x10040] =	vst v9  }
0x11: {  	[tilespmem:$0x10050] =	vst v9  }
0x12: {  	[tilespmem:$0x10060] =	vst v9  }
0x13: {  	[tilespmem:$0x10070] =	vst v9  }
0x14: {  	[tilespmem:$0x10080] =	vst v9  }
0x15: {  	[tilespmem:$0x10090] =	vst v9  }
0x16: {  	[tilespmem:$0x100A0] =	vst v9  }
0x17: {  	[tilespmem:$0x100B0] =	vst v9  }
0x18: {  	[tilespmem:$0x100C0] =	vst v9  }
0x19: {  	[tilespmem:$0x100D0] =	vst v9  }
0x1a: {  	[tilespmem:$0x100E0] =	vst v9  }
0x1b: {  	[tilespmem:$0x100F0] =	vst v9  }
0x1c: {  	[tilespmem:$0x10100] =	vst v9  }
0x1d: {  	[tilespmem:$0x10110] =	vst v9  }
0x1e: {  	[tilespmem:$0x10120] =	vst v9  }
0x1f: {  	[tilespmem:$0x10130] =	vst v9  }
0x20: {  	[tilespmem:$0x10140] =	vst v9  }
0x21: {  	[tilespmem:$0x10150] =	vst v9  }
0x22: {  	[tilespmem:$0x10160] =	vst v9  }
0x23: {  	[tilespmem:$0x10170] =	vst v9  }
0x24: {  	[tilespmem:$0x10180] =	vst v9  }
0x25: {  	[tilespmem:$0x10190] =	vst v9  }
0x26: {  	[tilespmem:$0x101A0] =	vst v9  }
0x27: {  	[tilespmem:$0x101B0] =	vst v9  }
0x28: {  	[tilespmem:$0x101C0] =	vst v9  }
0x29: {  	[tilespmem:$0x101D0] =	vst v9  }
0x2a: {  	[tilespmem:s2], [sflag:$0x1] =	stream.linear.gather [hbm4b:s3+s2], $0x8000, $0x38;
	[tilespmem:$0x10200] =	vst v63  }
0x2b: {  	_ =	swait.ge [sflag:s7], $0x8000  }
0x2c: {  	[sflag:s7] =	ssyncset.done $0x0  }
0x2d: {  	[sflag:s7] =	ssyncadd.s32 $0xFFFF8000  }
0x2e: {  	[tilespmem:s8], [sflag:$0x1] =	stream.linear.gather [hbm4b:s4+s2], $0x8000, $0x38;
	[tilespmem:$0x10200] =	vst v63  }
0x2f: {  	_ =	swait.ge [sflag:s7], $0x8000  }
0x30: {  	[sflag:s7] =	ssyncset.done $0x0  }
0x31: {  	[sflag:s7] =	ssyncadd.s32 $0xFFFF8000  }
0x32: {  	v1 =	vld [tilespmem:s10+$0x70]  }
0x33: {  	v0 =	vld [tilespmem:s10+$0xFFFFFF90]  }
0x34: {  	v2 =	vld [tilespmem:s10+$0xFFFFFFA0]  }
0x35: {  	v14 =	vld [tilespmem:s10+$0xFFFFFFB0]  }
0x36: {  	v12 =	vld [tilespmem:s10+$0xFFFFFFC0]  }
0x37: {  	v16 =	vld [tilespmem:s10+$0xFFFFFFF0]  }
0x38: {  	v18 =	vld [tilespmem:s10+$0x10];
	_ =	sdelay $0x1  }
0x39: {  	v54 =	vimm.f32 $0.0e+00;
	v15 =	vld [tilespmem:s10+$0xFFFFFFE0];
	v24 =	vand.u32 $0xFFFFFFC0, v1;
	v6 =	vand.u32 $0xFFFFFFC0, v0  }
0x3a: {  	v11 =	vand.u32 $0x3F, v0;
	v3 =	vand.u32 $0xFFFFFFC0, v2;
	v10 =	vand.u32 $0x3F, v2  }
0x3b: {  	v13 =	vld [tilespmem:s10+$0xFFFFFFD0];
	v7 =	vand.u32 $0xFFFFFFC0, v14;
	v8 =	vand.u32 $0xFFFFFFC0, v12;
	v30 =	vand.u32 $0xFFFFFFC0, v16  }
0x3c: {  	v17 =	vld [tilespmem:s10+$0x0];
	v33 =	vand.u32 $0xFFFFFFC0, v18;
	v1 =	vand.u32 $0x3F, v1;
	v14 =	vand.u32 $0x3F, v14  }
0x3d: {  	v19 =	vld [tilespmem:s10+$0x20];
	v12 =	vand.u32 $0x3F, v12;
	v9 =	vmul.f32 $1.000000000e+01, v24;
	v25 =	vmul.f32 $1.000000000e+01, v6  }
0x3e: {  	v20 =	vld [tilespmem:s10+$0x30];
	v2 =	vmul.f32 $1.000000000e+01, v3;
	[tilespmem:$0x1FF20] =	vst v8;
	v27 =	vmul.f32 $1.000000000e+01, v8;
	v8 =	vand.u32 $0xFFFFFFC0, v15  }
0x3f: {  	v16 =	vand.u32 $0x3F, v16;
	v26 =	vmul.f32 $1.000000000e+01, v7;
	v29 =	vmul.f32 $1.000000000e+01, v8  }
0x40: {  	v18 =	vand.u32 $0x3F, v18;
	v0 =	vtrunc.f32 v9;
	v42 =	vtrunc.f32 v25  }
0x41: {  	v15 =	vand.u32 $0x3F, v15;
	v58 =	vtrunc.f32 v26;
	v22 =	vcvt.f32.s32 v0  }
0x42: {  	vm0 =	veq.f32 v9, v0;
	v9 =	vand.u32 $0xFFFFFFC0, v13;
	v44 =	vtrunc.f32 v29  }
0x43: {  	vm3 =	veq.f32 v26, v58;
	v13 =	vand.u32 $0x3F, v13;
	v0 =	vsel vm0, $0xFFFFFFFF, v46  }
0x44: {  	v21 =	vld [tilespmem:s10+$0x40];
	v28 =	vmul.f32 $1.000000000e+01, v9;
	vm0 =	veq.f32 v25, v42;
	v25 =	vtrunc.f32 v27  }
0x45: {  	[tilespmem:$0x1FF30] =	vst v9;
	vm6 =	veq.f32 v29, v44;
	v42 =	vcvt.f32.s32 v42;
	v44 =	vcvt.f32.s32 v44  }
0x46: {  	v47 =	vsel vm3, $0xFFFFFFFF, v46;
	v0 =	vadd.s32 v22, v0;
	v23 =	vld [tilespmem:s10+$0x50];
	[tilespmem:$0x1FF40] =	vst v8;
	v8 =	vand.u32 $0xFFFFFFC0, v17  }
0x47: {  	vm4 =	veq.f32 v27, v25;
	v25 =	vcvt.f32.s32 v25;
	v61 =	vsel vm0, $0xFFFFFFFF, v46  }
0x48: {  	v50 =	vsel vm6, $0xFFFFFFFF, v46;
	v17 =	vand.u32 $0x3F, v17;
	vm14 =	vgt.s32 v0, $0x0  }
0x49: {  	v22 =	vld [tilespmem:s10+$0x60];
	[tilespmem:$0x1FF50] =	vst v30;
	v30 =	vmul.f32 $1.000000000e+01, v30;
	v31 =	vmul.f32 $1.000000000e+01, v8;
	v38 =	vand.u32 $0xFFFFFFC0, v21  }
0x4a: {  	v59 =	vtrunc.f32 v28;
	v48 =	vsel vm4, $0xFFFFFFFF, v46;
	v9 =	vnsel vm14, $0x0, v0;
	v0 =	vld [tilespmem:s10+$0xFFFFFF80];
	[tilespmem:$0x1FF60] =	vst v8  }
0x4b: {  	v21 =	vand.u32 $0x3F, v21;
	v8 =	vand.u32 $0xFFFFFFC0, v19;
	[tilespmem:$0x1FF70] =	vst v33;
	v33 =	vmul.f32 $1.000000000e+01, v33  }
0x4c: {  	s13 =	simm.s32 $0x8080;
	vm5 =	veq.f32 v28, v59;
	v25 =	vadd.s32 v25, v48;
	v19 =	vand.u32 $0x3F, v19  }
0x4d: {  	v9 =	vmin.u32 v9, $0x9;
	v34 =	vld [tilespmem:s13+$0x70];
	v36 =	vmul.f32 $1.000000000e+01, v8;
	[tilespmem:$0x1FFA0] =	vst v38;
	v38 =	vmul.f32 $1.000000000e+01, v38  }
0x4e: {  	v45 =	vtrunc.f32 v31;
	v49 =	vsel vm5, $0xFFFFFFFF, v46;
	vm4 =	vgt.s32 v25, $0x0  }
0x4f: {  	v32 =	vshll.u32 v9, $0x4;
	v9 =	vand.u32 $0xFFFFFFC0, v20;
	v26 =	vtrunc.f32 v33  }
0x50: {  	vm8 =	veq.f32 v31, v45;
	v45 =	vcvt.f32.s32 v45;
	v25 =	vnsel vm4, $0x0, v25  }
0x51: {  	v20 =	vand.u32 $0x3F, v20;
	v35 =	vor.u32 v63, v32;
	v37 =	vmul.f32 $1.000000000e+01, v9  }
0x52: {  	[tilespmem:$0x1FF80] =	vst v8;
	v8 =	vand.u32 $0xFFFFFFC0, v23;
	v27 =	vtrunc.f32 v36;
	v29 =	vtrunc.f32 v38  }
0x53: {  	vm9 =	veq.f32 v33, v26;
	v33 =	vadd.s32 v4, v32;
	v32 =	vadd.s32 v5, v32  }
0x54: {  	v26 =	vcvt.f32.s32 v26;
	v52 =	vsel vm8, $0xFFFFFFFF, v46;
	v25 =	vmin.u32 v25, $0x9  }
0x55: {  	[tilespmem:$0x1FF90] =	vst v9;
	v23 =	vand.u32 $0x3F, v23;
	v39 =	vmul.f32 $1.000000000e+01, v8;
	v9 =	vand.u32 $0xFFFFFFC0, v22  }
0x56: {  	vm11 =	veq.f32 v36, v27;
	v27 =	vcvt.f32.s32 v27;
	v60 =	vcvt.f32.s32 v29  }
0x57: {  	vm12 =	veq.f32 v38, v29;
	v38 =	vadd.s32 v42, v61;
	v53 =	vsel vm9, $0xFFFFFFFF, v46  }
0x58: {  	[tilespmem:$0x1FFB0] =	vst v8;
	v22 =	vand.u32 $0x3F, v22;
	v25 =	vshll.u32 v25, $0x4;
	v8 =	vand.u32 $0xFFFFFFC0, v0  }
0x59: {  	v40 =	vmul.f32 $1.000000000e+01, v9;
	v28 =	vtrunc.f32 v37;
	v55 =	vsel vm11, $0xFFFFFFFF, v46  }
0x5a: {  	v57 =	vsel vm12, $0xFFFFFFFF, v46;
	v26 =	vadd.s32 v26, v53;
	v0 =	vand.u32 $0x3F, v0  }
0x5b: {  	v41 =	vmul.f32 $1.000000000e+01, v8;
	vm10 =	veq.s32 v1, v34;
	v1 =	vtrunc.f32 v2  }
0x5c: {  	v34 =	vcvt.f32.s32 v58;
	v27 =	vadd.s32 v27, v55;
	vm9 =	vgt.s32 v26, $0x0  }
0x5d: {  	vm2 =	veq.f32 v2, v1;
	v2 =	vtrunc.f32 v30;
	v31 =	vtrunc.f32 v40  }
0x5e: {  	v1 =	vcvt.f32.s32 v1;
	v36 =	vsel vm10, $0x3F800000, v54;
	vm10 =	veq.f32 v37, v28  }
0x5f: {  	v28 =	vcvt.f32.s32 v28;
	v37 =	vadd.s32 v60, v57;
	v26 =	vnsel vm9, $0x0, v26  }
0x60: {  	v43 =	vtrunc.f32 v41;
	vm7 =	veq.f32 v30, v2;
	v30 =	vtrunc.f32 v39  }
0x61: {  	v2 =	vcvt.f32.s32 v2;
	vm14 =	veq.f32 v40, v31;
	v62 =	vsel vm2, $0xFFFFFFFF, v46  }
0x62: {  	v34 =	vadd.s32 v34, v47;
	v56 =	vsel vm10, $0xFFFFFFFF, v46;
	vm10 =	vgt.s32 v27, $0x0  }
0x63: {  	vm12 =	vgt.s32 v37, $0x0;
	vm1 =	veq.f32 v41, v43;
	v43 =	vcvt.f32.s32 v43  }
0x64: {  	v26 =	vmin.u32 v26, $0x9;
	v41 =	vcvt.f32.s32 v59;
	v29 =	vcvt.f32.s32 v30  }
0x65: {  	vm13 =	veq.f32 v39, v30;
	v30 =	vcvt.f32.s32 v31;
	v1 =	vadd.s32 v1, v62  }
0x66: {  	v51 =	vsel vm7, $0xFFFFFFFF, v46;
	v39 =	vadd.s32 v44, v50;
	v59 =	vsel vm14, $0xFFFFFFFF, v46  }
0x67: {  	v28 =	vadd.s32 v28, v56;
	vm3 =	vgt.s32 v34, $0x0;
	v27 =	vnsel vm10, $0x0, v27  }
0x68: {  	v37 =	vnsel vm12, $0x0, v37;
	v56 =	vimm.f32 $1.000000000e+00;
	v26 =	vshll.u32 v26, $0x4  }
0x69: {  	[tilespmem:$0x1FFC0] =	vst v9;
	v31 =	vsel vm1, $0xFFFFFFFF, v46;
	v2 =	vadd.s32 v2, v51;
	v58 =	vsel vm13, $0xFFFFFFFF, v46  }
0x6a: {  	v61 =	vld [tilespmem:s13+$0xFFFFFF90];
	vm1 =	vgt.s32 v38, $0x0;
	vm2 =	vgt.s32 v1, $0x0;
	vm6 =	vgt.s32 v39, $0x0  }
0x6b: {  	v55 =	vld [tilespmem:s13+$0xFFFFFFC0];
	vm11 =	vgt.s32 v28, $0x0;
	v34 =	vnsel vm3, $0x0, v34;
	v27 =	vmin.u32 v27, $0x9  }
0x6c: {  	v48 =	vmin.u32 v37, $0x9;
	v40 =	vadd.s32 v4, v26;
	v31 =	vadd.s32 v43, v31  }
0x6d: {  	v41 =	vadd.s32 v41, v49;
	v43 =	vadd.s32 v45, v52;
	v29 =	vadd.s32 v29, v58  }
0x6e: {  	v30 =	vadd.s32 v30, v59;
	vm7 =	vgt.s32 v2, $0x0;
	v38 =	vnsel vm1, $0x0, v38  }
0x6f: {  	[tilespmem:v35+s9+$0x0] =	vst.idx.add.f32.msk $0xffff, v56;
	v1 =	vnsel vm2, $0x0, v1;
	v39 =	vnsel vm6, $0x0, v39;
	v28 =	vnsel vm11, $0x0, v28  }
0x70: {  	[tilespmem:v33+s9+$0x0] =	vst.idx.add.f32.msk $0xffff, v24;
	v24 =	vmin.u32 v34, $0x9;
	vm10 =	veq.s32 v11, v61;
	vm12 =	veq.s32 v12, v55  }
0x71: {  	v60 =	vld [tilespmem:s13+$0xFFFFFF80];
	vm0 =	vgt.s32 v31, $0x0;
	vm5 =	vgt.s32 v41, $0x0;
	vm8 =	vgt.s32 v43, $0x0  }
0x72: {  	vm13 =	vgt.s32 v29, $0x0;
	vm14 =	vgt.s32 v30, $0x0;
	v2 =	vnsel vm7, $0x0, v2  }
0x73: {  	v62 =	vmin.u32 v38, $0x9;
	v1 =	vmin.u32 v1, $0x9;
	v47 =	vmin.u32 v39, $0x9  }
0x74: {  	v44 =	vld [tilespmem:s13+$0xFFFFFFA0];
	v24 =	vshll.u32 v24, $0x4;
	v39 =	vadd.s32 v5, v26;
	v31 =	vnsel vm0, $0x0, v31  }
0x75: {  	v45 =	vld [tilespmem:s13+$0xFFFFFFB0];
	v41 =	vnsel vm5, $0x0, v41;
	v43 =	vnsel vm8, $0x0, v43;
	v29 =	vnsel vm13, $0x0, v29  }
0x76: {  	v58 =	vld [tilespmem:s13+$0xFFFFFFD0];
	v30 =	vnsel vm14, $0x0, v30;
	v2 =	vmin.u32 v2, $0x9;
	vm14 =	veq.s32 v0, v60  }
0x77: {  	v59 =	vld [tilespmem:s13+$0x0];
	v35 =	vshll.u32 v62, $0x4;
	v1 =	vshll.u32 v1, $0x4;
	v33 =	vshll.u32 v47, $0x4  }
0x78: {  	v11 =	vld [tilespmem:s13+$0x30];
	v31 =	vmin.u32 v31, $0x9;
	v46 =	vmin.u32 v41, $0x9;
	v57 =	vmin.u32 v43, $0x9  }
0x79: {  	v61 =	vld [tilespmem:s13+$0x40];
	v49 =	vmin.u32 v29, $0x9;
	v51 =	vmin.u32 v30, $0x9;
	vm0 =	veq.s32 v10, v44  }
0x7a: {  	v2 =	vshll.u32 v2, $0x4;
	v12 =	vor.u32 v63, v35;
	v52 =	vor.u32 v63, v33  }
0x7b: {  	v50 =	vadd.s32 v4, v33;
	v41 =	vor.u32 v63, v26;
	v31 =	vshll.u32 v31, $0x4  }
0x7c: {  	[tilespmem:v32+s9+$0x0] =	vst.idx.add.f32.msk $0xffff, v36;
	v32 =	vshll.u32 v46, $0x4;
	v36 =	vshll.u32 v57, $0x4;
	v47 =	vadd.s32 v5, v2  }
0x7d: {  	v0 =	vld [tilespmem:s13+$0x10];
	vm11 =	veq.s32 v14, v45;
	vm13 =	veq.s32 v13, v58;
	vm9 =	veq.s32 v17, v59  }
0x7e: {  	v10 =	vld [tilespmem:s13+$0x50];
	vm6 =	veq.s32 v20, v11;
	vm1 =	veq.s32 v21, v61;
	v9 =	vadd.s32 v4, v31  }
0x7f: {  	v60 =	vld [tilespmem:s13+$0x20];
	v11 =	vadd.s32 v5, v31;
	v13 =	vadd.s32 v4, v35;
	v14 =	vadd.s32 v5, v35  }
0x80: {  	v62 =	vld [tilespmem:s13+$0x60];
	v17 =	vor.u32 v63, v24;
	v20 =	vadd.s32 v5, v24;
	v21 =	vor.u32 v63, v25  }
0x81: {  	v29 =	vld [tilespmem:s13+$0xFFFFFFE0];
	v59 =	vadd.s32 v5, v25;
	v57 =	vor.u32 v63, v32;
	v55 =	vadd.s32 v4, v32  }
0x82: {  	v30 =	vld [tilespmem:s13+$0xFFFFFFF0];
	v53 =	vadd.s32 v5, v32;
	vm4 =	veq.s32 v18, v0;
	v0 =	vor.u32 v63, v31  }
0x83: {  	v46 =	vor.u32 v63, v36;
	vm2 =	veq.s32 v23, v10;
	v10 =	vadd.s32 v5, v33  }
0x84: {  	v45 =	vadd.s32 v4, v36;
	v42 =	vadd.s32 v5, v36;
	[tilespmem:$0x1FFD0] =	vst v10;
	v10 =	vor.u32 v63, v2  }
0x85: {  	vm5 =	veq.s32 v19, v60;
	vm15 =	veq.s32 v22, v62;
	[tilespmem:$0x1FFE0] =	vst v10;
	v10 =	vadd.s32 v4, v2  }
0x86: {  	v19 =	vadd.s32 v4, v24;
	v60 =	vadd.s32 v4, v25;
	vm7 =	veq.s32 v15, v29;
	[tilespmem:$0x1FFF0] =	vst v10  }
0x87: {  	v28 =	vmin.u32 v28, $0x9;
	vm8 =	veq.s32 v16, v30;
	v15 =	vor.u32 v63, v1;
	[tilespmem:v0+s9+$0x0] =	vst.idx.add.f32.msk $0xffff, v56  }
0x88: {  	v16 =	vadd.s32 v4, v1;
	v1 =	vadd.s32 v5, v1;
	v2 =	vshll.u32 v27, $0x4;
	[tilespmem:v12+s9+$0x0] =	vst.idx.add.f32.msk $0xffff, v56  }
0x89: {  	v44 =	vimm.s32 $0x0;
	v38 =	vor.u32 v63, v2;
	v37 =	vadd.s32 v4, v2;
	[tilespmem:v9+s9+$0x0] =	vst.idx.add.f32.msk $0xffff, v8  }
0x8a: {  	v36 =	vadd.s32 v5, v2;
	v0 =	vsel vm14, $0x3F800000, v54;
	v9 =	vimm.f32 $0.0e+00;
	[tilespmem:v13+s9+$0x0] =	vst.idx.add.f32.msk $0xffff, v6  }
0x8b: {  	v8 =	vshll.u32 v28, $0x4;
	v6 =	vshll.u32 v49, $0x4;
	[tilespmem:v11+s9+$0x0] =	vst.idx.add.f32.msk $0xffff, v0;
	v0 =	vshll.u32 v48, $0x4  }
0x8c: {  	v35 =	vor.u32 v63, v8;
	v34 =	vadd.s32 v4, v8;
	v33 =	vadd.s32 v5, v8  }
0x8d: {  	[tilespmem:v15+s9+$0x0] =	vst.idx.add.f32.msk $0xffff, v56;
	v2 =	vsel vm10, $0x3F800000, v9;
	v29 =	vor.u32 v63, v6;
	v28 =	vadd.s32 v4, v6  }
0x8e: {  	v27 =	vadd.s32 v5, v6;
	[tilespmem:v16+s9+$0x0] =	vst.idx.add.f32.msk $0xffff, v3;
	v18 =	vsel vm12, $0x3F800000, v9;
	v16 =	vsel vm13, $0x3F800000, v9  }
0x8f: {  	[tilespmem:v17+s9+$0x0] =	vst.idx.add.f32.msk $0xffff, v56;
	v12 =	vsel vm7, $0x3F800000, v9;
	v62 =	vsel vm8, $0x3F800000, v9;
	v61 =	vsel vm9, $0x3F800000, v9  }
0x90: {  	[tilespmem:v21+s9+$0x0] =	vst.idx.add.f32.msk $0xffff, v56;
	v58 =	vsel vm4, $0x3F800000, v9;
	v48 =	vsel vm6, $0x3F800000, v9;
	v32 =	vor.u32 v63, v0  }
0x91: {  	[tilespmem:v19+s9+$0x0] =	vst.idx.add.f32.msk $0xffff, v7;
	v31 =	vadd.s32 v4, v0;
	v30 =	vadd.s32 v5, v0;
	v0 =	vshll.u32 v51, $0x4  }
0x92: {  	v13 =	vsel vm2, $0x3F800000, v9;
	[tilespmem:v14+s9+$0x0] =	vst.idx.add.f32.msk $0xffff, v2;
	v2 =	vsel vm0, $0x3F800000, v9;
	v26 =	vor.u32 v63, v0  }
0x93: {  	v22 =	vadd.s32 v4, v0;
	v11 =	vadd.s32 v5, v0;
	[tilespmem:v1+s9+$0x0] =	vst.idx.add.f32.msk $0xffff, v2;
	v0 =	vsel vm11, $0x3F800000, v9  }
0x94: {  	s14 =	simm.s32 $0x0;
	s15 =	simm.s32 $0x180;
	v3 =	vsel vm15, $0x3F800000, v9;
	v51 =	vsel vm5, $0x3F800000, v9;
	v14 =	vsel vm1, $0x3F800000, v9;
	[tilespmem:v20+s9+$0x0] =	vst.idx.add.f32.msk $0xffff, v0  }
.LBB2_2:
0x95: {  	[tilespmem:$0x1FD90] =	vst v26;
	v26 =	vld [tilespmem:s15+$0x70]  }
0x96: {  	v0 =	vld [tilespmem:s15+$0xFFFFFF90];
	_ =	sdelay $0x1  }
0x97: {  	v1 =	vld [tilespmem:s15+$0xFFFFFFA0];
	_ =	sdelay $0x1  }
0x98: {  	[tilespmem:$0x1FD70] =	vst v27  }
0x99: {  	[tilespmem:$0x1FDE0] =	vst v3;
	v3 =	vand.u32 $0xFFFFFFC0, v26;
	v2 =	vand.u32 $0xFFFFFFC0, v0;
	v0 =	vand.u32 $0x3F, v0  }
0x9a: {  	[tilespmem:$0x1FDC0] =	vst v0;
	v0 =	vmul.f32 $1.000000000e+01, v3  }
0x9b: {  	[tilespmem:$0x1FEF0] =	vst v2;
	v27 =	vmul.f32 $1.000000000e+01, v2;
	v2 =	vand.u32 $0xFFFFFFC0, v1;
	v1 =	vand.u32 $0x3F, v1  }
0x9c: {  	[tilespmem:$0x1FE00] =	vst v1;
	v1 =	vtrunc.f32 v0  }
0x9d: {  	[tilespmem:$0x1FD80] =	vst v13;
	v13 =	vcvt.f32.s32 v1;
	vm0 =	veq.f32 v0, v1  }
0x9e: {  	v17 =	vsel vm0, $0xFFFFFFFF, v44  }
0x9f: {  	[tilespmem:$0x1FC10] =	vst v40;
	v13 =	vadd.s32 v13, v17  }
0xa0: {  	[tilespmem:$0x1FC30] =	vst v38;
	vm13 =	vgt.s32 v13, $0x0  }
0xa1: {  	[tilespmem:$0x1FC40] =	vst v37;
	v7 =	vld [tilespmem:s15+$0x0];
	v13 =	vnsel vm13, $0x0, v13  }
0xa2: {  	[tilespmem:$0x1FC50] =	vst v36;
	v6 =	vld [tilespmem:s15+$0xFFFFFFB0];
	v20 =	vmin.u32 v13, $0x9  }
0xa3: {  	[tilespmem:$0x1FDF0] =	vst v11;
	v11 =	vld [tilespmem:s15+$0xFFFFFFE0];
	s13 =	sadd.s32 $0x100, s13;
	v24 =	vshll.u32 v20, $0x4  }
0xa4: {  	[tilespmem:$0x1FCE0] =	vst v32;
	v36 =	vld [tilespmem:s13+$0x70];
	v37 =	vor.u32 v63, v24  }
0xa5: {  	[tilespmem:$0x1FD50] =	vst v29;
	v38 =	vadd.s32 v4, v24  }
0xa6: {  	v10 =	vld [tilespmem:s15+$0xFFFFFFC0];
	[tilespmem:$0x1FCF0] =	vst v7;
	v23 =	vand.u32 $0xFFFFFFC0, v7;
	v7 =	vadd.s32 v5, v24  }
0xa7: {  	v19 =	vld [tilespmem:s15+$0xFFFFFFF0];
	v43 =	vimm.f32 $1.000000000e+00;
	[tilespmem:$0x1FC80] =	vst v6;
	v6 =	vand.u32 $0xFFFFFFC0, v6  }
0xa8: {  	v26 =	vand.u32 $0x3F, v26;
	[tilespmem:$0x1FF10] =	vst v6;
	v29 =	vmul.f32 $1.000000000e+01, v6;
	v6 =	vld [tilespmem:s15+$0x20];
	v0 =	vand.u32 $0xFFFFFFC0, v11  }
0xa9: {  	vm14 =	veq.s32 v26, v36;
	v32 =	vmul.f32 $1.000000000e+01, v0;
	[tilespmem:v37+s9+$0x0] =	vst.idx.add.f32.msk $0xffff, v43  }
0xaa: {  	v37 =	vsel vm14, $0x3F800000, v9;
	[tilespmem:v38+s9+$0x0] =	vst.idx.add.f32.msk $0xffff, v3  }
0xab: {  	[tilespmem:v7+s9+$0x0] =	vst.idx.add.f32.msk $0xffff, v37;
	v37 =	vtrunc.f32 v32  }
0xac: {  	[tilespmem:$0x1FD40] =	vst v14;
	vm6 =	veq.f32 v32, v37;
	v32 =	vld [tilespmem:s13+$0x10]  }
0xad: {  	[tilespmem:$0x1FCD0] =	vst v19  }
0xae: {  	v25 =	vand.u32 $0xFFFFFFC0, v19;
	[tilespmem:$0x1FD10] =	vst v6;
	v19 =	vand.u32 $0xFFFFFFC0, v6;
	v6 =	vld [tilespmem:s13+$0xFFFFFF80]  }
0xaf: {  	[tilespmem:$0x1FD60] =	vst v28;
	v8 =	vld [tilespmem:s15+$0xFFFFFFD0]  }
0xb0: {  	v15 =	vld [tilespmem:s15+$0x30];
	[tilespmem:$0x1FC90] =	vst v10;
	v36 =	vtrunc.f32 v29  }
0xb1: {  	vm3 =	veq.f32 v29, v36;
	[tilespmem:$0x1FE80] =	vst v32;
	v32 =	vcvt.f32.s32 v36;
	v36 =	vld [tilespmem:s13+$0x20]  }
0xb2: {  	[tilespmem:$0x1FCC0] =	vst v11;
	v11 =	vld [tilespmem:s13+$0xFFFFFFB0]  }
0xb3: {  	[tilespmem:$0x1FDB0] =	vst v6;
	v6 =	vld [tilespmem:s13+$0xFFFFFF90]  }
0xb4: {  	[tilespmem:$0x1FF00] =	vst v2;
	v28 =	vmul.f32 $1.000000000e+01, v2;
	v2 =	vand.u32 $0xFFFFFFC0, v10;
	v10 =	vld [tilespmem:s15+$0x10]  }
0xb5: {  	[tilespmem:$0x1FD30] =	vst v30;
	v13 =	vld [tilespmem:s15+$0xFFFFFF80]  }
0xb6: {  	[tilespmem:$0x1FE90] =	vst v36;
	v36 =	vld [tilespmem:s13+$0x30]  }
0xb7: {  	v49 =	vand.u32 $0xFFFFFFC0, v15;
	v30 =	vmul.f32 $1.000000000e+01, v2;
	[tilespmem:$0x1FE20] =	vst v11  }
0xb8: {  	v56 =	vld [tilespmem:s15+$0x50];
	v11 =	vmov v42;
	v42 =	vtrunc.f32 v27;
	[tilespmem:$0x1FDD0] =	vst v6;
	v6 =	vmul.f32 $1.000000000e+01, v49  }
0xb9: {  	v54 =	vld [tilespmem:s15+$0x60];
	[tilespmem:$0x1FCB0] =	vst v8;
	v1 =	vand.u32 $0xFFFFFFC0, v8;
	vm0 =	veq.f32 v27, v42;
	v27 =	vtrunc.f32 v30  }
0xba: {  	v8 =	vld [tilespmem:s13+$0xFFFFFFA0];
	[tilespmem:$0x1FD00] =	vst v10;
	v21 =	vand.u32 $0xFFFFFFC0, v10;
	vm4 =	veq.f32 v30, v27;
	v30 =	vtrunc.f32 v6  }
0xbb: {  	v10 =	vand.u32 $0xFFFFFFC0, v13;
	vm11 =	veq.f32 v6, v30;
	[tilespmem:$0x1FEA0] =	vst v36;
	v36 =	vcvt.f32.s32 v30;
	v30 =	vld [tilespmem:$0x1FF20]  }
0xbc: {  	v14 =	vmov v41;
	[tilespmem:$0x1FEE0] =	vst v10;
	v41 =	vmul.f32 $1.000000000e+01, v10;
	v10 =	vld [tilespmem:s13+$0x0]  }
0xbd: {  	[tilespmem:$0x1FDA0] =	vst v22;
	v9 =	vld [tilespmem:s13+$0xFFFFFFD0]  }
0xbe: {  	[tilespmem:$0x1FD20] =	vst v31;
	v7 =	vld [tilespmem:s13+$0xFFFFFFC0]  }
0xbf: {  	[tilespmem:$0x1FE10] =	vst v8  }
0xc0: {  	v22 =	vand.u32 $0xFFFFFFC0, v56;
	v31 =	vmul.f32 $1.000000000e+01, v1;
	[tilespmem:v60+s9+$0x0] =	vst.idx.add.f32.msk $0xffff, v30  }
0xc1: {  	v8 =	vmul.f32 $1.000000000e+01, v22;
	v42 =	vcvt.f32.s32 v42;
	v24 =	vand.u32 $0xFFFFFFC0, v54;
	[tilespmem:$0x1FE70] =	vst v10;
	v60 =	vld [tilespmem:$0x1FF40]  }
0xc2: {  	v40 =	vmul.f32 $1.000000000e+01, v24;
	v3 =	vtrunc.f32 v41;
	[tilespmem:$0x1FE40] =	vst v9  }
0xc3: {  	vm1 =	veq.f32 v41, v3;
	v3 =	vcvt.f32.s32 v3;
	v9 =	vld [tilespmem:s13+$0xFFFFFFE0];
	[tilespmem:$0x1FE30] =	vst v7;
	v7 =	vtrunc.f32 v31  }
0xc4: {  	v10 =	vtrunc.f32 v40;
	[tilespmem:v52+s9+$0x0] =	vst.idx.add.f32.msk $0xffff, v43;
	vm5 =	veq.f32 v31, v7;
	v31 =	vtrunc.f32 v8;
	v30 =	vmovc v2  }
0xc5: {  	vm14 =	veq.f32 v40, v10;
	vm13 =	veq.f32 v8, v31;
	v8 =	vsel vm1, $0xFFFFFFFF, v44;
	[tilespmem:$0x1FF20] =	vst v30  }
0xc6: {  	v2 =	vcvt.f32.s32 v10;
	v10 =	vsel vm0, $0xFFFFFFFF, v44;
	v30 =	vsel vm3, $0xFFFFFFFF, v44;
	[tilespmem:v50+s9+$0x0] =	vst.idx.add.f32.msk $0xffff, v60  }
0xc7: {  	v60 =	vmovc v0;
	v0 =	vadd.s32 v3, v8;
	v3 =	vadd.s32 v42, v10;
	v10 =	vadd.s32 v32, v30;
	v30 =	vld [tilespmem:$0x1FFD0];
	_ =	sdelay $0x7  }
0xc8: {  	[tilespmem:v30+s9+$0x0] =	vst.idx.add.f32.msk $0xffff, v12  }
0xc9: {  	v12 =	vld [tilespmem:$0x1FFE0];
	_ =	sdelay $0x5  }
0xca: {  	v30 =	vld [tilespmem:$0x1FFF0]  }
0xcb: {  	[tilespmem:$0x1FE50] =	vst v9;
	v9 =	vld [tilespmem:s13+$0xFFFFFFF0]  }
0xcc: {  	[tilespmem:v12+s9+$0x0] =	vst.idx.add.f32.msk $0xffff, v43  }
0xcd: {  	v12 =	vld [tilespmem:$0x1FF50];
	_ =	sdelay $0x1  }
0xce: {  	v17 =	vld [tilespmem:s15+$0x40]  }
0xcf: {  	[tilespmem:$0x1FC20] =	vst v39;
	v6 =	vld [tilespmem:s13+$0x60]  }
0xd0: {  	[tilespmem:$0x1FC70] =	vst v34  }
0xd1: {  	[tilespmem:v30+s9+$0x0] =	vst.idx.add.f32.msk $0xffff, v12;
	v12 =	vmov v25  }
0xd2: {  	[tilespmem:$0x1FF50] =	vst v12;
	v12 =	vld [tilespmem:$0x1FF60]  }
0xd3: {  	[tilespmem:v46+s9+$0x0] =	vst.idx.add.f32.msk $0xffff, v43  }
0xd4: {  	v34 =	vmul.f32 $1.000000000e+01, v23;
	v26 =	vtrunc.f32 v28;
	v20 =	vand.u32 $0xFFFFFFC0, v17;
	[tilespmem:$0x1FED0] =	vst v6  }
0xd5: {  	vm2 =	veq.f32 v28, v26;
	v26 =	vcvt.f32.s32 v26;
	v39 =	vmul.f32 $1.000000000e+01, v20;
	[tilespmem:$0x1FE60] =	vst v9  }
0xd6: {  	v27 =	vcvt.f32.s32 v27;
	v38 =	vtrunc.f32 v34;
	[tilespmem:v59+s9+$0x0] =	vst.idx.add.f32.msk $0xffff, v18  }
0xd7: {  	vm8 =	veq.f32 v34, v38;
	v34 =	vcvt.f32.s32 v38;
	v9 =	vtrunc.f32 v39;
	[tilespmem:v45+s9+$0x0] =	vst.idx.add.f32.msk $0xffff, v12  }
0xd8: {  	v6 =	vcvt.f32.s32 v9;
	vm12 =	veq.f32 v39, v9;
	v9 =	vcvt.f32.s32 v31;
	[tilespmem:v11+s9+$0x0] =	vst.idx.add.f32.msk $0xffff, v61  }
0xd9: {  	v31 =	vsel vm4, $0xFFFFFFFF, v44;
	v39 =	vsel vm8, $0xFFFFFFFF, v44;
	v18 =	vsel vm2, $0xFFFFFFFF, v44;
	v11 =	vld [tilespmem:$0x1FC10]  }
0xda: {  	v8 =	vadd.s32 v26, v18;
	v18 =	vadd.s32 v27, v31;
	v27 =	vadd.s32 v34, v39  }
0xdb: {  	vm8 =	vgt.s32 v27, $0x0  }
0xdc: {  	v12 =	vmov v23;
	v23 =	vnsel vm8, $0x0, v27;
	v27 =	vld [tilespmem:$0x1FF70];
	_ =	sdelay $0x3  }
0xdd: {  	[tilespmem:v14+s9+$0x0] =	vst.idx.add.f32.msk $0xffff, v43  }
0xde: {  	[tilespmem:v11+s9+$0x0] =	vst.idx.add.f32.msk $0xffff, v27  }
0xdf: {  	v11 =	vld [tilespmem:$0x1FC20];
	_ =	sdelay $0x5  }
0xe0: {  	[tilespmem:v57+s9+$0x0] =	vst.idx.add.f32.msk $0xffff, v43  }
0xe1: {  	v57 =	vld [tilespmem:$0x1FF30]  }
0xe2: {  	[tilespmem:v11+s9+$0x0] =	vst.idx.add.f32.msk $0xffff, v58  }
0xe3: {  	v11 =	vld [tilespmem:$0x1FC30];
	_ =	sdelay $0x2  }
0xe4: {  	[tilespmem:v55+s9+$0x0] =	vst.idx.add.f32.msk $0xffff, v57  }
0xe5: {  	v57 =	vld [tilespmem:$0x1FD50];
	v59 =	vmov v1  }
0xe6: {  	[tilespmem:$0x1FF30] =	vst v59;
	v59 =	vld [tilespmem:$0x1FD60]  }
0xe7: {  	[tilespmem:$0x1FF40] =	vst v60;
	v60 =	vmov v22;
	v22 =	vld [tilespmem:$0x1FD70]  }
0xe8: {  	v58 =	vld [tilespmem:$0x1FFB0]  }
0xe9: {  	[tilespmem:v11+s9+$0x0] =	vst.idx.add.f32.msk $0xffff, v43  }
0xea: {  	v11 =	vld [tilespmem:$0x1FC40]  }
0xeb: {  	v61 =	vld [tilespmem:$0x1FD80]  }
0xec: {  	v38 =	vld [tilespmem:s13+$0x50]  }
0xed: {  	[tilespmem:$0x1FC60] =	vst v35;
	v35 =	vmul.f32 $1.000000000e+01, v21;
	v27 =	vmov v21;
	v21 =	vld [tilespmem:$0x1FF80]  }
0xee: {  	[tilespmem:v57+s9+$0x0] =	vst.idx.add.f32.msk $0xffff, v43  }
0xef: {  	[tilespmem:v59+s9+$0x0] =	vst.idx.add.f32.msk $0xffff, v58  }
0xf0: {  	[tilespmem:v22+s9+$0x0] =	vst.idx.add.f32.msk $0xffff, v61  }
0xf1: {  	[tilespmem:$0x1FCA0] =	vst v33;
	v22 =	vld [tilespmem:$0x1FD90]  }
0xf2: {  	v33 =	vmul.f32 $1.000000000e+01, v25;
	[tilespmem:v11+s9+$0x0] =	vst.idx.add.f32.msk $0xffff, v21  }
0xf3: {  	v11 =	vld [tilespmem:$0x1FC50]  }
0xf4: {  	v28 =	vtrunc.f32 v33;
	v63 =	vmul.f32 $1.000000000e+01, v19  }
0xf5: {  	vm7 =	veq.f32 v33, v28;
	v29 =	vtrunc.f32 v35  }
0xf6: {  	v28 =	vcvt.f32.s32 v28;
	vm9 =	veq.f32 v35, v29;
	v41 =	vtrunc.f32 v63;
	[tilespmem:v53+s9+$0x0] =	vst.idx.add.f32.msk $0xffff, v16  }
0xf7: {  	v29 =	vcvt.f32.s32 v29;
	vm10 =	veq.f32 v63, v41;
	v35 =	vcvt.f32.s32 v41;
	[tilespmem:$0x1FEC0] =	vst v38  }
0xf8: {  	v41 =	vsel vm11, $0xFFFFFFFF, v44;
	v16 =	vsel vm9, $0xFFFFFFFF, v44;
	v38 =	vsel vm7, $0xFFFFFFFF, v44;
	[tilespmem:v47+s9+$0x0] =	vst.idx.add.f32.msk $0xffff, v62  }
0xf9: {  	v16 =	vadd.s32 v29, v16;
	v29 =	vadd.s32 v36, v41;
	v26 =	vadd.s32 v28, v38;
	v62 =	vld [tilespmem:$0x1FDA0];
	[tilespmem:$0x1FF60] =	vst v12  }
0xfa: {  	vm11 =	vgt.s32 v29, $0x0;
	vm4 =	vgt.s32 v18, $0x0;
	vm7 =	vgt.s32 v26, $0x0;
	[tilespmem:v22+s9+$0x0] =	vst.idx.add.f32.msk $0xffff, v43  }
0xfb: {  	v12 =	vnsel vm4, $0x0, v18;
	v18 =	vnsel vm7, $0x0, v26;
	v26 =	vnsel vm11, $0x0, v29;
	[tilespmem:v11+s9+$0x0] =	vst.idx.add.f32.msk $0xffff, v51  }
0xfc: {  	v21 =	vmov v19;
	v19 =	vmin.u32 v23, $0x9;
	v23 =	vmin.u32 v26, $0x9;
	v11 =	vld [tilespmem:$0x1FC60]  }
0xfd: {  	v22 =	vshll.u32 v23, $0x4;
	v23 =	vld [tilespmem:$0x1FFC0];
	_ =	sdelay $0x4  }
0xfe: {  	[tilespmem:v62+s9+$0x0] =	vst.idx.add.f32.msk $0xffff, v23;
	v23 =	vmov v24  }
0xff: {  	[tilespmem:$0x1FFC0] =	vst v23;
	v23 =	vld [tilespmem:$0x1FDB0]  }
0x100: {  	v40 =	vsel vm10, $0xFFFFFFFF, v44;
	[tilespmem:v11+s9+$0x0] =	vst.idx.add.f32.msk $0xffff, v43  }
0x101: {  	v28 =	vadd.s32 v35, v40;
	v11 =	vld [tilespmem:$0x1FC70]  }
0x102: {  	v55 =	vsel vm14, $0xFFFFFFFF, v44;
	vm10 =	vgt.s32 v28, $0x0  }
0x103: {  	v2 =	vadd.s32 v2, v55;
	v25 =	vnsel vm10, $0x0, v28  }
0x104: {  	v13 =	vand.u32 $0x3F, v13;
	vm14 =	vgt.s32 v2, $0x0;
	[tilespmem:$0x1FF80] =	vst v21;
	v21 =	vmin.u32 v25, $0x9;
	v25 =	vld [tilespmem:$0x1FF90]  }
0x105: {  	v2 =	vnsel vm14, $0x0, v2;
	vm14 =	veq.s32 v13, v23;
	v13 =	vld [tilespmem:$0x1FDC0]  }
0x106: {  	v23 =	vld [tilespmem:$0x1FDD0];
	_ =	sdelay $0x2  }
0x107: {  	[tilespmem:v11+s9+$0x0] =	vst.idx.add.f32.msk $0xffff, v25  }
0x108: {  	v11 =	vld [tilespmem:$0x1FC80]  }
0x109: {  	vm10 =	veq.s32 v13, v23;
	v23 =	vld [tilespmem:$0x1FDF0];
	_ =	sdelay $0x2  }
0x10a: {  	v13 =	vld [tilespmem:$0x1FDE0];
	v25 =	vmov v49  }
0x10b: {  	[tilespmem:$0x1FF90] =	vst v25;
	v25 =	vand.u32 $0x3F, v11;
	v11 =	vld [tilespmem:$0x1FC90];
	_ =	sdelay $0x3  }
0x10c: {  	[tilespmem:v23+s9+$0x0] =	vst.idx.add.f32.msk $0xffff, v13  }
0x10d: {  	v26 =	vand.u32 $0x3F, v11;
	v11 =	vld [tilespmem:$0x1FCA0]  }
0x10e: {  	v13 =	vld [tilespmem:$0x1FE00]  }
0x10f: {  	v23 =	vld [tilespmem:$0x1FE10];
	_ =	sdelay $0x4  }
0x110: {  	vm11 =	veq.s32 v13, v23;
	v13 =	vld [tilespmem:$0x1FE20]  }
0x111: {  	[tilespmem:v11+s9+$0x0] =	vst.idx.add.f32.msk $0xffff, v48  }
0x112: {  	v11 =	vld [tilespmem:$0x1FCB0]  }
0x113: {  	v52 =	vsel vm12, $0xFFFFFFFF, v44  }
0x114: {  	v6 =	vadd.s32 v6, v52  }
0x115: {  	vm12 =	vgt.s32 v6, $0x0  }
0x116: {  	v6 =	vnsel vm12, $0x0, v6;
	vm12 =	veq.s32 v25, v13;
	v13 =	vld [tilespmem:$0x1FE30]  }
0x117: {  	[tilespmem:$0x1FF70] =	vst v27;
	v27 =	vand.u32 $0x3F, v11;
	v11 =	vld [tilespmem:$0x1FCC0]  }
0x118: {  	v53 =	vsel vm13, $0xFFFFFFFF, v44  }
0x119: {  	v9 =	vadd.s32 v9, v53  }
0x11a: {  	vm13 =	vgt.s32 v9, $0x0  }
0x11b: {  	v9 =	vnsel vm13, $0x0, v9;
	vm13 =	veq.s32 v26, v13;
	v13 =	vld [tilespmem:$0x1FE40]  }
0x11c: {  	v28 =	vand.u32 $0x3F, v11;
	v11 =	vld [tilespmem:$0x1FCD0];
	_ =	sdelay $0x3  }
0x11d: {  	vm7 =	veq.s32 v27, v13;
	v13 =	vld [tilespmem:$0x1FE50]  }
0x11e: {  	v29 =	vand.u32 $0x3F, v11;
	v11 =	vld [tilespmem:$0x1FCE0];
	_ =	sdelay $0x4  }
0x11f: {  	vm8 =	veq.s32 v28, v13;
	v13 =	vld [tilespmem:$0x1FE60];
	_ =	sdelay $0x1  }
0x120: {  	v33 =	vcvt.f32.s32 v37;
	v37 =	vld [tilespmem:s13+$0x40]  }
0x121: {  	[tilespmem:v11+s9+$0x0] =	vst.idx.add.f32.msk $0xffff, v43  }
0x122: {  	vm9 =	vgt.s32 v16, $0x0;
	v11 =	vld [tilespmem:$0x1FCF0]  }
0x123: {  	v16 =	vnsel vm9, $0x0, v16;
	vm9 =	veq.s32 v29, v13;
	v13 =	vld [tilespmem:$0x1FE70];
	_ =	sdelay $0x3  }
0x124: {  	vm3 =	vgt.s32 v10, $0x0;
	v30 =	vand.u32 $0x3F, v11;
	v11 =	vld [tilespmem:$0x1FD00]  }
0x125: {  	v10 =	vnsel vm3, $0x0, v10;
	vm3 =	veq.s32 v30, v13;
	v13 =	vld [tilespmem:$0x1FE80];
	_ =	sdelay $0x3  }
0x126: {  	v14 =	vld [tilespmem:$0x1FD10];
	v11 =	vand.u32 $0x3F, v11  }
0x127: {  	vm4 =	veq.s32 v11, v13;
	v11 =	vld [tilespmem:$0x1FE90]  }
0x128: {  	v7 =	vcvt.f32.s32 v7  }
0x129: {  	[tilespmem:$0x1FEB0] =	vst v37;
	v37 =	vsel vm5, $0xFFFFFFFF, v44  }
0x12a: {  	v7 =	vadd.s32 v7, v37  }
0x12b: {  	v14 =	vand.u32 $0x3F, v14;
	vm5 =	vgt.s32 v7, $0x0  }
0x12c: {  	v7 =	vnsel vm5, $0x0, v7;
	vm5 =	veq.s32 v14, v11;
	v11 =	vld [tilespmem:$0x1FEA0];
	_ =	sdelay $0x3  }
0x12d: {  	v15 =	vand.u32 $0x3F, v15;
	vm0 =	vgt.s32 v0, $0x0  }
0x12e: {  	v0 =	vnsel vm0, $0x0, v0;
	vm0 =	veq.s32 v15, v11;
	v11 =	vld [tilespmem:$0x1FEB0]  }
0x12f: {  	v55 =	vld [tilespmem:$0x1FD20];
	_ =	sdelay $0x2  }
0x130: {  	v17 =	vand.u32 $0x3F, v17;
	v31 =	vld [tilespmem:$0x1FFA0];
	vm1 =	vgt.s32 v3, $0x0  }
0x131: {  	v1 =	vsel vm6, $0xFFFFFFFF, v44;
	v3 =	vnsel vm1, $0x0, v3;
	vm1 =	veq.s32 v17, v11;
	v11 =	vld [tilespmem:$0x1FEC0]  }
0x132: {  	v1 =	vadd.s32 v33, v1  }
0x133: {  	vm6 =	vgt.s32 v1, $0x0  }
0x134: {  	v63 =	vlaneseq.u32;
	v1 =	vnsel vm6, $0x0, v1;
	v0 =	vmin.u32 v0, $0x9  }
0x135: {  	vm2 =	vgt.s32 v8, $0x0;
	v0 =	vshll.u32 v0, $0x4;
	[tilespmem:v55+s9+$0x0] =	vst.idx.add.f32.msk $0xffff, v31;
	v31 =	vmovc v20;
	v20 =	vand.u32 $0x3F, v56  }
0x136: {  	v8 =	vnsel vm2, $0x0, v8;
	vm2 =	veq.s32 v20, v11;
	v11 =	vor.u32 v63, v0  }
0x137: {  	v1 =	vmin.u32 v1, $0x9;
	v2 =	vmin.u32 v2, $0x9  }
0x138: {  	v1 =	vshll.u32 v1, $0x4;
	v2 =	vshll.u32 v2, $0x4;
	[tilespmem:$0x1FFA0] =	vst v31;
	v31 =	vld [tilespmem:$0x1FD30]  }
0x139: {  	v52 =	vor.u32 v63, v1;
	v50 =	vadd.s32 v4, v1;
	v1 =	vadd.s32 v5, v1  }
0x13a: {  	v18 =	vmin.u32 v18, $0x9;
	v35 =	vor.u32 v63, v22;
	v34 =	vadd.s32 v4, v22;
	v56 =	vld [tilespmem:$0x1FD40]  }
0x13b: {  	v18 =	vshll.u32 v18, $0x4;
	v33 =	vadd.s32 v5, v22;
	v22 =	vadd.s32 v4, v2;
	[tilespmem:v11+s9+$0x0] =	vst.idx.add.f32.msk $0xffff, v43  }
0x13c: {  	v26 =	vor.u32 v63, v2;
	v13 =	vadd.s32 v4, v0;
	v11 =	vadd.s32 v5, v2;
	v2 =	vld [tilespmem:$0x1FEE0]  }
0x13d: {  	v9 =	vmin.u32 v9, $0x9;
	[tilespmem:$0x1FFD0] =	vst v1;
	v1 =	vor.u32 v63, v18;
	v14 =	vld [tilespmem:$0x1FED0];
	v0 =	vadd.s32 v5, v0  }
0x13e: {  	v9 =	vshll.u32 v9, $0x4;
	[tilespmem:$0x1FFE0] =	vst v1;
	v1 =	vadd.s32 v4, v18  }
0x13f: {  	v3 =	vmin.u32 v3, $0x9;
	[tilespmem:$0x1FFF0] =	vst v1;
	v27 =	vadd.s32 v5, v9  }
0x140: {  	v28 =	vadd.s32 v4, v9;
	v29 =	vor.u32 v63, v9;
	v9 =	vimm.f32 $0.0e+00;
	[tilespmem:v31+s9+$0x0] =	vst.idx.add.f32.msk $0xffff, v56  }
0x141: {  	v3 =	vshll.u32 v3, $0x4;
	v1 =	vsel vm14, $0x3F800000, v9;
	v31 =	vand.u32 $0x3F, v54;
	[tilespmem:v13+s9+$0x0] =	vst.idx.add.f32.msk $0xffff, v2  }
0x142: {  	vm15 =	veq.s32 v31, v14;
	v14 =	vor.u32 v63, v3;
	[tilespmem:v0+s9+$0x0] =	vst.idx.add.f32.msk $0xffff, v1  }
0x143: {  	v16 =	vmin.u32 v16, $0x9;
	v7 =	vmin.u32 v7, $0x9;
	v15 =	vadd.s32 v4, v3;
	v0 =	vld [tilespmem:$0x1FEF0]  }
0x144: {  	v16 =	vshll.u32 v16, $0x4;
	v7 =	vshll.u32 v7, $0x4  }
0x145: {  	v57 =	vor.u32 v63, v7;
	v53 =	vadd.s32 v5, v7;
	v6 =	vmin.u32 v6, $0x9  }
0x146: {  	v41 =	vor.u32 v63, v16;
	v6 =	vshll.u32 v6, $0x4;
	v8 =	vmin.u32 v8, $0x9  }
0x147: {  	v40 =	vadd.s32 v4, v16;
	v39 =	vadd.s32 v5, v16;
	v8 =	vshll.u32 v8, $0x4;
	[tilespmem:v14+s9+$0x0] =	vst.idx.add.f32.msk $0xffff, v43  }
0x148: {  	v32 =	vor.u32 v63, v6;
	v12 =	vmin.u32 v12, $0x9;
	v17 =	vor.u32 v63, v8;
	[tilespmem:v15+s9+$0x0] =	vst.idx.add.f32.msk $0xffff, v0  }
0x149: {  	v10 =	vmin.u32 v10, $0x9;
	v12 =	vshll.u32 v12, $0x4;
	v20 =	vadd.s32 v4, v8;
	v0 =	vld [tilespmem:$0x1FF00]  }
0x14a: {  	v10 =	vshll.u32 v10, $0x4;
	v47 =	vadd.s32 v5, v18;
	[tilespmem:$0x1FFB0] =	vst v60;
	v60 =	vadd.s32 v4, v12  }
0x14b: {  	v59 =	vadd.s32 v5, v12;
	v19 =	vshll.u32 v19, $0x4;
	v23 =	vor.u32 v63, v10  }
0x14c: {  	v46 =	vor.u32 v63, v19;
	v45 =	vadd.s32 v4, v19;
	v25 =	vor.u32 v63, v12  }
0x14d: {  	v21 =	vshll.u32 v21, $0x4;
	v42 =	vadd.s32 v5, v19;
	v3 =	vadd.s32 v5, v3;
	[tilespmem:v17+s9+$0x0] =	vst.idx.add.f32.msk $0xffff, v43  }
0x14e: {  	v38 =	vor.u32 v63, v21;
	v8 =	vadd.s32 v5, v8;
	[tilespmem:v20+s9+$0x0] =	vst.idx.add.f32.msk $0xffff, v0  }
0x14f: {  	s14 =	sadd.s32 $0x100, s14;
	v37 =	vadd.s32 v4, v21;
	v36 =	vadd.s32 v5, v21;
	v24 =	vadd.s32 v4, v10;
	v0 =	vld [tilespmem:$0x1FF10]  }
0x150: {  	p0 =	slt.u32 s14, $0x7F00;
	v10 =	vadd.s32 v5, v10;
	[tilespmem:v23+s9+$0x0] =	vst.idx.add.f32.msk $0xffff, v43;
	v18 =	vsel vm13, $0x3F800000, v9;
	v16 =	vsel vm7, $0x3F800000, v9  }
.Ltmp0:
0x151: {  	[tilespmem:v25+s9+$0x0] =	vst.idx.add.f32.msk $0xffff, v43;
	v30 =	vadd.s32 v5, v6;
	v31 =	vadd.s32 v4, v6;
	v6 =	vsel vm10, $0x3F800000, v9;
	(pc) =	sbr.rel @p0 .LBB2_2-.Ltmp0, $4  }
0x152: {  	v12 =	vsel vm8, $0x3F800000, v9;
	v62 =	vsel vm9, $0x3F800000, v9;
	v2 =	vsel vm11, $0x3F800000, v9;
	[tilespmem:v3+s9+$0x0] =	vst.idx.add.f32.msk $0xffff, v6  }
0x153: {  	v55 =	vadd.s32 v4, v7;
	v7 =	vsel vm12, $0x3F800000, v9;
	v61 =	vsel vm3, $0x3F800000, v9;
	[tilespmem:v8+s9+$0x0] =	vst.idx.add.f32.msk $0xffff, v2  }
0x154: {  	v58 =	vsel vm4, $0x3F800000, v9;
	v51 =	vsel vm5, $0x3F800000, v9;
	v48 =	vsel vm0, $0x3F800000, v9;
	[tilespmem:v24+s9+$0x0] =	vst.idx.add.f32.msk $0xffff, v0  }
0x155: {  	s15 =	sadd.s32 $0x100, s15;
	v14 =	vsel vm1, $0x3F800000, v9;
	v13 =	vsel vm2, $0x3F800000, v9;
	v3 =	vsel vm15, $0x3F800000, v9;
	[tilespmem:v10+s9+$0x0] =	vst.idx.add.f32.msk $0xffff, v7  }
0x156: {  	v0 =	vld [tilespmem:$0x1FF20];
	_ =	sdelay $0x4  }
0x157: {  	[tilespmem:v60+s9+$0x0] =	vst.idx.add.f32.msk $0xffff, v0  }
0x158: {  	v60 =	vimm.f32 $1.000000000e+00;
	[tilespmem:v59+s9+$0x0] =	vst.idx.add.f32.msk $0xffff, v18  }
0x159: {  	[tilespmem:v57+s9+$0x0] =	vst.idx.add.f32.msk $0xffff, v60  }
0x15a: {  	v1 =	vld [tilespmem:$0x1FF30];
	_ =	sdelay $0x3  }
0x15b: {  	[tilespmem:v52+s9+$0x0] =	vst.idx.add.f32.msk $0xffff, v60  }
0x15c: {  	[tilespmem:v55+s9+$0x0] =	vst.idx.add.f32.msk $0xffff, v1  }
0x15d: {  	[tilespmem:v53+s9+$0x0] =	vst.idx.add.f32.msk $0xffff, v16  }
0x15e: {  	v1 =	vld [tilespmem:$0x1FF40];
	_ =	sdelay $0x4  }
0x15f: {  	[tilespmem:v50+s9+$0x0] =	vst.idx.add.f32.msk $0xffff, v1  }
0x160: {  	v1 =	vld [tilespmem:$0x1FFD0];
	_ =	sdelay $0x7  }
0x161: {  	[tilespmem:v1+s9+$0x0] =	vst.idx.add.f32.msk $0xffff, v12  }
0x162: {  	v1 =	vld [tilespmem:$0x1FFE0];
	_ =	sdelay $0x7  }
0x163: {  	[tilespmem:v1+s9+$0x0] =	vst.idx.add.f32.msk $0xffff, v60  }
0x164: {  	v2 =	vld [tilespmem:$0x1FFF0];
	_ =	sdelay $0x2  }
0x165: {  	v1 =	vld [tilespmem:$0x1FF50];
	_ =	sdelay $0x3  }
0x166: {  	[tilespmem:v46+s9+$0x0] =	vst.idx.add.f32.msk $0xffff, v60  }
0x167: {  	[tilespmem:v2+s9+$0x0] =	vst.idx.add.f32.msk $0xffff, v1  }
0x168: {  	[tilespmem:v47+s9+$0x0] =	vst.idx.add.f32.msk $0xffff, v62  }
0x169: {  	v1 =	vld [tilespmem:$0x1FF60];
	_ =	sdelay $0x3  }
0x16a: {  	[tilespmem:v41+s9+$0x0] =	vst.idx.add.f32.msk $0xffff, v60  }
0x16b: {  	[tilespmem:v45+s9+$0x0] =	vst.idx.add.f32.msk $0xffff, v1  }
0x16c: {  	[tilespmem:v42+s9+$0x0] =	vst.idx.add.f32.msk $0xffff, v61  }
0x16d: {  	v1 =	vld [tilespmem:$0x1FF70];
	_ =	sdelay $0x3  }
0x16e: {  	[tilespmem:v38+s9+$0x0] =	vst.idx.add.f32.msk $0xffff, v60  }
0x16f: {  	[tilespmem:v40+s9+$0x0] =	vst.idx.add.f32.msk $0xffff, v1  }
0x170: {  	[tilespmem:v39+s9+$0x0] =	vst.idx.add.f32.msk $0xffff, v58  }
0x171: {  	v1 =	vld [tilespmem:$0x1FF80];
	_ =	sdelay $0x3  }
0x172: {  	[tilespmem:v35+s9+$0x0] =	vst.idx.add.f32.msk $0xffff, v60  }
0x173: {  	[tilespmem:v37+s9+$0x0] =	vst.idx.add.f32.msk $0xffff, v1  }
0x174: {  	[tilespmem:v36+s9+$0x0] =	vst.idx.add.f32.msk $0xffff, v51  }
0x175: {  	v1 =	vld [tilespmem:$0x1FF90];
	_ =	sdelay $0x3  }
0x176: {  	[tilespmem:v32+s9+$0x0] =	vst.idx.add.f32.msk $0xffff, v60  }
0x177: {  	[tilespmem:v34+s9+$0x0] =	vst.idx.add.f32.msk $0xffff, v1  }
0x178: {  	[tilespmem:v33+s9+$0x0] =	vst.idx.add.f32.msk $0xffff, v48  }
0x179: {  	v1 =	vld [tilespmem:$0x1FFA0];
	_ =	sdelay $0x3  }
0x17a: {  	[tilespmem:v29+s9+$0x0] =	vst.idx.add.f32.msk $0xffff, v60  }
0x17b: {  	[tilespmem:v31+s9+$0x0] =	vst.idx.add.f32.msk $0xffff, v1  }
0x17c: {  	[tilespmem:v30+s9+$0x0] =	vst.idx.add.f32.msk $0xffff, v14  }
0x17d: {  	v1 =	vld [tilespmem:$0x1FFB0];
	_ =	sdelay $0x3  }
0x17e: {  	[tilespmem:v26+s9+$0x0] =	vst.idx.add.f32.msk $0xffff, v60  }
0x17f: {  	[tilespmem:v28+s9+$0x0] =	vst.idx.add.f32.msk $0xffff, v1  }
0x180: {  	[tilespmem:v27+s9+$0x0] =	vst.idx.add.f32.msk $0xffff, v13  }
0x181: {  	v0 =	vld [tilespmem:$0x1FFC0];
	_ =	sdelay $0x3  }
0x182: {  	s12 =	sadd.s32 $0x1, s12  }
0x183: {  	p0 =	sne.s32 s12, s6;
	[tilespmem:v22+s9+$0x0] =	vst.idx.add.f32.msk $0xffff, v0  }
.Ltmp1:
0x184: {  	[tilespmem:v11+s9+$0x0] =	vst.idx.add.f32.msk $0xffff, v3;
	(pc) =	sbr.rel @p0 .LBB2_1-.Ltmp1, $4  }
0x185: {  	[hbm4b:s5+s10] =	stream.strided.scatter [tilespmem:s9], [sflag:$0x1], $0x200, s11, s10, $0x38;
	[tilespmem:$0x10200] =	vst v63  }
0x186: {  	_ =	swait.ge [sflag:s7], $0x200  }
0x187: {  	[sflag:s7] =	ssyncset.done $0x0  }
0x188: {  	v46 =	vimm.s32 $0x0;
	[sflag:s7] =	ssyncadd.s32 $0xFFFFFE00  }
0x189: {  	_ =	sfence.sel $0x180000  }
0x18a: {  	[bflag:$0x0] =	sbarrier.arrive $0xFFFF  }
0x18b: {  	p0 =	sne.s32 s0, $0x0;
	_ =	strace $0x90000047  }
0x18c: {  	s0 =	sadd.s32 @!p0 $0x100000, s1;
	[bflag:$0x2] =	sbarrier.arrive $0xFFFF  }
0x18d: {  	[sflag:s0] =	ssyncadd.tile.s32 @!p0 $0x1;
	_ =	shalt  }
.Lfunc_end2:
_tile_overlayer_lowered:
.L_overlay_start_2:
0x18e: {  	(tag) =	ssettag $0x2  }
0x18f: {  	s0 =	rddreg [dreg:$0x0];
	s2 =	stileid.u32  }
0x190: {  	s1 =	rddreg [dreg:$0x1];
	p0 =	sne.s32 s2, $0x0  }
0x191: {  	s3 =	rddreg [dreg:$0x2];
	[bflag:$0x3] =	sbarrier.arrive $0xFFFF;
	s2 =	simm.s32 @!p0 $0x1C01  }
0x192: {  	[timem:s3], [sflag:s2] =	dma.local @!p0 [hbm:s0], s1  }
0x193: {  	s0 =	simm.s32 @!p0 $0x1  }
0x194: {  	_ =	swait.ge @!p0 [sflag:s0], s1  }
0x195: {  	s1 =	ssub.s32 @!p0 $0x0, s1;
	[sflag:s0] =	ssyncset.done @!p0 $0x0  }
0x196: {  	[sflag:s0] =	ssyncadd.s32 @!p0 s1  }
0x197: {  	[bflag:$0x3] =	sbarrier.arrive $0xFFFF  }
0x198: {  	_ =	shalt  }

</sc_bundles>
